<compile_context>
chip_gen: v7x
topology: tpu7x:2x2x1
jax: 0.10.2.dev20260603
libtpu: 0.0.44.dev20260713+nightly
codegen_flags: <defaults>
</compile_context>

<pallas_src>
import jax
import jax.numpy as jnp
from jax import lax
from jax.experimental import pallas as pl
from jax.experimental.pallas import tpu as pltpu
from jax.experimental.pallas import tpu_sc as plsc

NC = 2
NS = 16
NW = NC * NS

BATCH = 64
SEQ = 8192
DIM = 64
PAD = 128
CHUNK = SEQ // NW
NR = 4
SLOT = CHUNK // NR


def _sc_body(x_hbm, tab_hbm, pe_hbm, out_hbm,
             idx0, idx1, idx2, idx3, pe_v,
             buf0, buf1, buf2, buf3, sbuf0, sbuf1, sbuf2, sbuf3,
             gsem0, gsem1, gsem2, gsem3,
             ssem0, ssem1, ssem2, ssem3,
             isem0, isem1, isem2, isem3):
    wid = lax.axis_index("s") * NC + lax.axis_index("c")
    l0 = wid * CHUNK

    pltpu.sync_copy(pe_hbm.at[pl.ds(l0, CHUNK)], pe_v)

    idxs = (idx0, idx1, idx2, idx3)
    bufs = (buf0, buf1, buf2, buf3)
    sbufs = (sbuf0, sbuf1, sbuf2, sbuf3)
    gsems = (gsem0, gsem1, gsem2, gsem3)
    ssems = (ssem0, ssem1, ssem2, ssem3)
    isems = (isem0, isem1, isem2, isem3)

    for p in range(NR):
        pltpu.sync_copy(x_hbm.at[0, pl.ds(l0 + p * SLOT, SLOT)], idxs[p])
        pltpu.async_copy(tab_hbm.at[idxs[p]], bufs[p], gsems[p])

    def step(b, carry):
        for p in range(NR):
            off = p * SLOT
            buf, sbuf = bufs[p], sbufs[p]
            pltpu.make_async_copy(tab_hbm.at[idxs[p]], buf, gsems[p]).wait()

            @pl.when(b < BATCH - 1)
            def _():
                pltpu.async_copy(
                    x_hbm.at[b + 1, pl.ds(l0 + off, SLOT)], idxs[p], isems[p]
                )

            @pl.when(b > 0)
            def _():
                pltpu.make_async_copy(
                    sbuf, out_hbm.at[b - 1, pl.ds(l0 + off, SLOT)], ssems[p]
                ).wait()

            def row_body(r, c2):
                for c in range(DIM // 16):
                    sl = pl.ds(c * 16, 16)
                    sbuf[r, sl] = buf[r, sl] + pe_v[r + off, sl]
                return c2

            lax.fori_loop(0, SLOT, row_body, 0)
            pltpu.async_copy(sbuf, out_hbm.at[b, pl.ds(l0 + off, SLOT)], ssems[p])

            @pl.when(b < BATCH - 1)
            def _():
                pltpu.make_async_copy(
                    x_hbm.at[b + 1, pl.ds(l0 + off, SLOT)], idxs[p], isems[p]
                ).wait()
                pltpu.async_copy(tab_hbm.at[idxs[p]], buf, gsems[p])

        return carry

    lax.fori_loop(0, BATCH, step, 0)

    for p in range(NR):
        off = p * SLOT
        pltpu.make_async_copy(
            sbufs[p], out_hbm.at[BATCH - 1, pl.ds(l0 + off, SLOT)], ssems[p]
        ).wait()


@jax.jit
def kernel(x, embedding_table, positional_encoding):
    pe2d = positional_encoding.reshape(SEQ, DIM)
    xi = x.astype(jnp.int32)
    tab_pad = jnp.pad(embedding_table, ((0, 0), (0, PAD - DIM)))

    mesh = plsc.VectorSubcoreMesh(
        core_axis_name="c", subcore_axis_name="s", num_cores=NC, num_subcores=NS
    )
    run = pl.kernel(
        _sc_body,
        out_type=jax.ShapeDtypeStruct((BATCH, SEQ, DIM), jnp.float32),
        mesh=mesh,
        scratch_types=(
            [pltpu.VMEM((SLOT,), jnp.int32)] * NR
            + [pltpu.VMEM((CHUNK, DIM), jnp.float32)]
            + [pltpu.VMEM((SLOT, PAD), jnp.float32)] * NR
            + [pltpu.VMEM((SLOT, DIM), jnp.float32)] * NR
            + [pltpu.SemaphoreType.DMA] * (3 * NR)
        ),
    )
    return run(xi, tab_pad, pe2d)

# --- scband reference (transcript-rebuilt; emitter-appended) ---
"""Pipeline reference for scband-target-embeddings-32066225832127 (READ-ONLY COPY).

The authoritative reference and input builder live on the scoring server;
editing this copy changes nothing except your own understanding.
"""

import jax, jax.numpy as jnp
import numpy as np
import math

MAX_LENGTH = 8192
EMBEDDING_DIM = 64
BATCH = 64
SEQ_LEN = 8192

def _make_positional_encoding(max_length, embedding_dim):
    pe = np.zeros((max_length, embedding_dim), dtype=np.float32)
    position = np.arange(0, max_length, dtype=np.float32)[:, None]
    div_term = np.exp(np.arange(0, embedding_dim, 2, dtype=np.float32) * -(math.log(10000.0) / embedding_dim))
    pe[:, 0::2] = np.sin(position * div_term)
    pe[:, 1::2] = np.cos(position * div_term)
    return jnp.asarray(pe[None, :, :])  # [1, max_length, embedding_dim]

def setup_inputs(seed: int = 0) -> dict:
    key = jax.random.key(seed)
    k_idx, k_tab = jax.random.split(key)
    x = jax.random.randint(k_idx, (BATCH, SEQ_LEN), 0, MAX_LENGTH, dtype=jnp.int64 if jax.config.jax_enable_x64 else jnp.int32)
    embedding_table = jax.random.normal(k_tab, (MAX_LENGTH, EMBEDDING_DIM), dtype=jnp.float32)
    positional_encoding = _make_positional_encoding(MAX_LENGTH, EMBEDDING_DIM)
    return {"x": x, "embedding_table": embedding_table, "positional_encoding": positional_encoding}

def reference(x, embedding_table, positional_encoding):
    # embedding lookup (gather) + additive sinusoidal positional encoding
    emb = jnp.take(embedding_table, x, axis=0)  # [B, L, D]
    return emb + positional_encoding[:, : x.shape[1]]

if __name__ == "__main__":
    import jax
    _d = setup_inputs()
    print(jax.jit(kernel)(*tuple(_d.values())))

</pallas_src>

<mosaic_0001>
#map = affine_map<(d0, d1) -> (0, 0)>
#map1 = affine_map<(d0, d1) -> (0, 0, 0)>
module attributes {stable_mosaic.version = 14 : i64} {
  func.func @_sc_body(%arg0: i32, %arg1: i32, %arg2: memref<64x8192xi32, #tpu.memory_space<hbm>>, %arg3: memref<8192x128xf32, #tpu.memory_space<hbm>>, %arg4: memref<8192x64xf32, #tpu.memory_space<hbm>>, %arg5: memref<64x8192x64xf32, #tpu.memory_space<hbm>>, %arg6: memref<64xi32, #tpu.memory_space<vmem>>, %arg7: memref<64xi32, #tpu.memory_space<vmem>>, %arg8: memref<64xi32, #tpu.memory_space<vmem>>, %arg9: memref<64xi32, #tpu.memory_space<vmem>>, %arg10: memref<256x64xf32, #tpu.memory_space<vmem>>, %arg11: memref<64x128xf32, #tpu.memory_space<vmem>>, %arg12: memref<64x128xf32, #tpu.memory_space<vmem>>, %arg13: memref<64x128xf32, #tpu.memory_space<vmem>>, %arg14: memref<64x128xf32, #tpu.memory_space<vmem>>, %arg15: memref<64x64xf32, #tpu.memory_space<vmem>>, %arg16: memref<64x64xf32, #tpu.memory_space<vmem>>, %arg17: memref<64x64xf32, #tpu.memory_space<vmem>>, %arg18: memref<64x64xf32, #tpu.memory_space<vmem>>, %arg19: memref<!tpu.dma_semaphore, #tpu.memory_space<semaphore_mem>>, %arg20: memref<!tpu.dma_semaphore, #tpu.memory_space<semaphore_mem>>, %arg21: memref<!tpu.dma_semaphore, #tpu.memory_space<semaphore_mem>>, %arg22: memref<!tpu.dma_semaphore, #tpu.memory_space<semaphore_mem>>, %arg23: memref<!tpu.dma_semaphore, #tpu.memory_space<semaphore_mem>>, %arg24: memref<!tpu.dma_semaphore, #tpu.memory_space<semaphore_mem>>, %arg25: memref<!tpu.dma_semaphore, #tpu.memory_space<semaphore_mem>>, %arg26: memref<!tpu.dma_semaphore, #tpu.memory_space<semaphore_mem>>, %arg27: memref<!tpu.dma_semaphore, #tpu.memory_space<semaphore_mem>>, %arg28: memref<!tpu.dma_semaphore, #tpu.memory_space<semaphore_mem>>, %arg29: memref<!tpu.dma_semaphore, #tpu.memory_space<semaphore_mem>>, %arg30: memref<!tpu.dma_semaphore, #tpu.memory_space<semaphore_mem>>) attributes {dimension_semantics = [#tpu.dimension_semantics<core_parallel>, #tpu.dimension_semantics<subcore_parallel>], iteration_bounds = array<i64: 2, 16>, scalar_prefetch = 0 : i64, scratch_operands = 25 : i64, tpu.core_type = #tpu.core_type<sc_vector_subcore>, window_params = [{transform_indices = #map}, {transform_indices = #map}, {transform_indices = #map}, {transform_indices = #map1}]} {
    %mul3A = arith.constant 2 : i32
    %mul3A_0 = arith.muli %arg1, %mul3A : i32
    %add3A = arith.addi %mul3A_0, %arg0 : i32
    %mul3A_1 = arith.constant 256 : i32
    %mul3A_2 = arith.muli %add3A, %mul3A_1 : i32
    "tpu.region"() ({
      %run_scoped3A_65 = tpu.sem_alloc : memref<!tpu.dma_semaphore, #tpu.memory_space<semaphore_mem>>
      %dma_start3A_66 = arith.constant 0 : i32
      %dma_start3A_67 = tpu.memref_slice %arg4[%mul3A_2, %dma_start3A_66] : memref<8192x64xf32, #tpu.memory_space<hbm>> -> memref<256x64xf32, #tpu.memory_space<hbm>>
      %dma_start3A_68 = arith.constant 0 : i32
      %dma_start3A_69 = tpu.memref_slice %arg4[%mul3A_2, %dma_start3A_68] : memref<8192x64xf32, #tpu.memory_space<hbm>> -> memref<256x64xf32, #tpu.memory_space<hbm>>
      tpu.enqueue_dma source(%dma_start3A_69 : memref<256x64xf32, #tpu.memory_space<hbm>>) target(%arg10 : memref<256x64xf32, #tpu.memory_space<vmem>>) target_semaphore(%run_scoped3A_65 : memref<!tpu.dma_semaphore, #tpu.memory_space<semaphore_mem>>)
      %dma_wait3A_70 = arith.constant 0 : i32
      %dma_wait3A_71 = tpu.memref_slice %arg4[%mul3A_2, %dma_wait3A_70] : memref<8192x64xf32, #tpu.memory_space<hbm>> -> memref<256x64xf32, #tpu.memory_space<hbm>>
      %dma_wait3A_72 = arith.constant 0 : i32
      %dma_wait3A_73 = tpu.memref_slice %arg4[%mul3A_2, %dma_wait3A_72] : memref<8192x64xf32, #tpu.memory_space<hbm>> -> memref<256x64xf32, #tpu.memory_space<hbm>>
      tpu.wait_dma2 semaphore(%run_scoped3A_65 : memref<!tpu.dma_semaphore, #tpu.memory_space<semaphore_mem>>) src(%dma_wait3A_73 : memref<256x64xf32, #tpu.memory_space<hbm>>) dst(%arg10 : memref<256x64xf32, #tpu.memory_space<vmem>>)
      tpu.yield
    }) : () -> ()
    %add3A_3 = arith.constant 0 : i32
    %add3A_4 = arith.addi %mul3A_2, %add3A_3 : i32
    %run_scoped3A = arith.constant 0 : i32
    "tpu.region"() ({
      %run_scoped3A_65 = tpu.sem_alloc : memref<!tpu.dma_semaphore, #tpu.memory_space<semaphore_mem>>
      %dma_start3A_66 = tpu.memref_slice %arg2[%run_scoped3A, %add3A_4] : memref<64x8192xi32, #tpu.memory_space<hbm>> -> memref<1x64xi32, #tpu.memory_space<hbm>>
      %dma_start3A_67 = tpu.memref_squeeze %dma_start3A_66 : memref<1x64xi32, #tpu.memory_space<hbm>> -> memref<64xi32, #tpu.memory_space<hbm>>
      %dma_start3A_68 = tpu.memref_slice %arg2[%run_scoped3A, %add3A_4] : memref<64x8192xi32, #tpu.memory_space<hbm>> -> memref<1x64xi32, #tpu.memory_space<hbm>>
      %dma_start3A_69 = tpu.memref_squeeze %dma_start3A_68 : memref<1x64xi32, #tpu.memory_space<hbm>> -> memref<64xi32, #tpu.memory_space<hbm>>
      tpu.enqueue_dma source(%dma_start3A_69 : memref<64xi32, #tpu.memory_space<hbm>>) target(%arg6 : memref<64xi32, #tpu.memory_space<vmem>>) target_semaphore(%run_scoped3A_65 : memref<!tpu.dma_semaphore, #tpu.memory_space<semaphore_mem>>)
      %dma_wait3A_70 = tpu.memref_slice %arg2[%run_scoped3A, %add3A_4] : memref<64x8192xi32, #tpu.memory_space<hbm>> -> memref<1x64xi32, #tpu.memory_space<hbm>>
      %dma_wait3A_71 = tpu.memref_squeeze %dma_wait3A_70 : memref<1x64xi32, #tpu.memory_space<hbm>> -> memref<64xi32, #tpu.memory_space<hbm>>
      %dma_wait3A_72 = tpu.memref_slice %arg2[%run_scoped3A, %add3A_4] : memref<64x8192xi32, #tpu.memory_space<hbm>> -> memref<1x64xi32, #tpu.memory_space<hbm>>
      %dma_wait3A_73 = tpu.memref_squeeze %dma_wait3A_72 : memref<1x64xi32, #tpu.memory_space<hbm>> -> memref<64xi32, #tpu.memory_space<hbm>>
      tpu.wait_dma2 semaphore(%run_scoped3A_65 : memref<!tpu.dma_semaphore, #tpu.memory_space<semaphore_mem>>) src(%dma_wait3A_73 : memref<64xi32, #tpu.memory_space<hbm>>) dst(%arg6 : memref<64xi32, #tpu.memory_space<vmem>>)
      tpu.yield
    }) : () -> ()
    %dma_start3A = arith.constant 0 : i32
    %dma_start3A_5 = arith.constant 0 : i32
    %dma_start3A_6 = tpu.memref_slice %arg3[%dma_start3A, %dma_start3A_5] : memref<8192x128xf32, #tpu.memory_space<hbm>> -> memref<8192x128xf32, #tpu.memory_space<hbm>>
    tpu.enqueue_indirect_dma source(%dma_start3A_6 : memref<8192x128xf32, #tpu.memory_space<hbm>>) target(%arg11 : memref<64x128xf32, #tpu.memory_space<vmem>>) offsets(%arg6 : memref<64xi32, #tpu.memory_space<vmem>>) semaphore(%arg19 : memref<!tpu.dma_semaphore, #tpu.memory_space<semaphore_mem>>)
    %add3A_7 = arith.constant 64 : i32
    %add3A_8 = arith.addi %mul3A_2, %add3A_7 : i32
    %run_scoped3A_9 = arith.constant 0 : i32
    "tpu.region"() ({
      %run_scoped3A_65 = tpu.sem_alloc : memref<!tpu.dma_semaphore, #tpu.memory_space<semaphore_mem>>
      %dma_start3A_66 = tpu.memref_slice %arg2[%run_scoped3A_9, %add3A_8] : memref<64x8192xi32, #tpu.memory_space<hbm>> -> memref<1x64xi32, #tpu.memory_space<hbm>>
      %dma_start3A_67 = tpu.memref_squeeze %dma_start3A_66 : memref<1x64xi32, #tpu.memory_space<hbm>> -> memref<64xi32, #tpu.memory_space<hbm>>
      %dma_start3A_68 = tpu.memref_slice %arg2[%run_scoped3A_9, %add3A_8] : memref<64x8192xi32, #tpu.memory_space<hbm>> -> memref<1x64xi32, #tpu.memory_space<hbm>>
      %dma_start3A_69 = tpu.memref_squeeze %dma_start3A_68 : memref<1x64xi32, #tpu.memory_space<hbm>> -> memref<64xi32, #tpu.memory_space<hbm>>
      tpu.enqueue_dma source(%dma_start3A_69 : memref<64xi32, #tpu.memory_space<hbm>>) target(%arg7 : memref<64xi32, #tpu.memory_space<vmem>>) target_semaphore(%run_scoped3A_65 : memref<!tpu.dma_semaphore, #tpu.memory_space<semaphore_mem>>)
      %dma_wait3A_70 = tpu.memref_slice %arg2[%run_scoped3A_9, %add3A_8] : memref<64x8192xi32, #tpu.memory_space<hbm>> -> memref<1x64xi32, #tpu.memory_space<hbm>>
      %dma_wait3A_71 = tpu.memref_squeeze %dma_wait3A_70 : memref<1x64xi32, #tpu.memory_space<hbm>> -> memref<64xi32, #tpu.memory_space<hbm>>
      %dma_wait3A_72 = tpu.memref_slice %arg2[%run_scoped3A_9, %add3A_8] : memref<64x8192xi32, #tpu.memory_space<hbm>> -> memref<1x64xi32, #tpu.memory_space<hbm>>
      %dma_wait3A_73 = tpu.memref_squeeze %dma_wait3A_72 : memref<1x64xi32, #tpu.memory_space<hbm>> -> memref<64xi32, #tpu.memory_space<hbm>>
      tpu.wait_dma2 semaphore(%run_scoped3A_65 : memref<!tpu.dma_semaphore, #tpu.memory_space<semaphore_mem>>) src(%dma_wait3A_73 : memref<64xi32, #tpu.memory_space<hbm>>) dst(%arg7 : memref<64xi32, #tpu.memory_space<vmem>>)
      tpu.yield
    }) : () -> ()
    %dma_start3A_10 = arith.constant 0 : i32
    %dma_start3A_11 = arith.constant 0 : i32
    %dma_start3A_12 = tpu.memref_slice %arg3[%dma_start3A_10, %dma_start3A_11] : memref<8192x128xf32, #tpu.memory_space<hbm>> -> memref<8192x128xf32, #tpu.memory_space<hbm>>
    tpu.enqueue_indirect_dma source(%dma_start3A_12 : memref<8192x128xf32, #tpu.memory_space<hbm>>) target(%arg12 : memref<64x128xf32, #tpu.memory_space<vmem>>) offsets(%arg7 : memref<64xi32, #tpu.memory_space<vmem>>) semaphore(%arg20 : memref<!tpu.dma_semaphore, #tpu.memory_space<semaphore_mem>>)
    %add3A_13 = arith.constant 128 : i32
    %add3A_14 = arith.addi %mul3A_2, %add3A_13 : i32
    %run_scoped3A_15 = arith.constant 0 : i32
    "tpu.region"() ({
      %run_scoped3A_65 = tpu.sem_alloc : memref<!tpu.dma_semaphore, #tpu.memory_space<semaphore_mem>>
      %dma_start3A_66 = tpu.memref_slice %arg2[%run_scoped3A_15, %add3A_14] : memref<64x8192xi32, #tpu.memory_space<hbm>> -> memref<1x64xi32, #tpu.memory_space<hbm>>
      %dma_start3A_67 = tpu.memref_squeeze %dma_start3A_66 : memref<1x64xi32, #tpu.memory_space<hbm>> -> memref<64xi32, #tpu.memory_space<hbm>>
      %dma_start3A_68 = tpu.memref_slice %arg2[%run_scoped3A_15, %add3A_14] : memref<64x8192xi32, #tpu.memory_space<hbm>> -> memref<1x64xi32, #tpu.memory_space<hbm>>
      %dma_start3A_69 = tpu.memref_squeeze %dma_start3A_68 : memref<1x64xi32, #tpu.memory_space<hbm>> -> memref<64xi32, #tpu.memory_space<hbm>>
      tpu.enqueue_dma source(%dma_start3A_69 : memref<64xi32, #tpu.memory_space<hbm>>) target(%arg8 : memref<64xi32, #tpu.memory_space<vmem>>) target_semaphore(%run_scoped3A_65 : memref<!tpu.dma_semaphore, #tpu.memory_space<semaphore_mem>>)
      %dma_wait3A_70 = tpu.memref_slice %arg2[%run_scoped3A_15, %add3A_14] : memref<64x8192xi32, #tpu.memory_space<hbm>> -> memref<1x64xi32, #tpu.memory_space<hbm>>
      %dma_wait3A_71 = tpu.memref_squeeze %dma_wait3A_70 : memref<1x64xi32, #tpu.memory_space<hbm>> -> memref<64xi32, #tpu.memory_space<hbm>>
      %dma_wait3A_72 = tpu.memref_slice %arg2[%run_scoped3A_15, %add3A_14] : memref<64x8192xi32, #tpu.memory_space<hbm>> -> memref<1x64xi32, #tpu.memory_space<hbm>>
      %dma_wait3A_73 = tpu.memref_squeeze %dma_wait3A_72 : memref<1x64xi32, #tpu.memory_space<hbm>> -> memref<64xi32, #tpu.memory_space<hbm>>
      tpu.wait_dma2 semaphore(%run_scoped3A_65 : memref<!tpu.dma_semaphore, #tpu.memory_space<semaphore_mem>>) src(%dma_wait3A_73 : memref<64xi32, #tpu.memory_space<hbm>>) dst(%arg8 : memref<64xi32, #tpu.memory_space<vmem>>)
      tpu.yield
    }) : () -> ()
    %dma_start3A_16 = arith.constant 0 : i32
    %dma_start3A_17 = arith.constant 0 : i32
    %dma_start3A_18 = tpu.memref_slice %arg3[%dma_start3A_16, %dma_start3A_17] : memref<8192x128xf32, #tpu.memory_space<hbm>> -> memref<8192x128xf32, #tpu.memory_space<hbm>>
    tpu.enqueue_indirect_dma source(%dma_start3A_18 : memref<8192x128xf32, #tpu.memory_space<hbm>>) target(%arg13 : memref<64x128xf32, #tpu.memory_space<vmem>>) offsets(%arg8 : memref<64xi32, #tpu.memory_space<vmem>>) semaphore(%arg21 : memref<!tpu.dma_semaphore, #tpu.memory_space<semaphore_mem>>)
    %add3A_19 = arith.constant 192 : i32
    %add3A_20 = arith.addi %mul3A_2, %add3A_19 : i32
    %run_scoped3A_21 = arith.constant 0 : i32
    "tpu.region"() ({
      %run_scoped3A_65 = tpu.sem_alloc : memref<!tpu.dma_semaphore, #tpu.memory_space<semaphore_mem>>
      %dma_start3A_66 = tpu.memref_slice %arg2[%run_scoped3A_21, %add3A_20] : memref<64x8192xi32, #tpu.memory_space<hbm>> -> memref<1x64xi32, #tpu.memory_space<hbm>>
      %dma_start3A_67 = tpu.memref_squeeze %dma_start3A_66 : memref<1x64xi32, #tpu.memory_space<hbm>> -> memref<64xi32, #tpu.memory_space<hbm>>
      %dma_start3A_68 = tpu.memref_slice %arg2[%run_scoped3A_21, %add3A_20] : memref<64x8192xi32, #tpu.memory_space<hbm>> -> memref<1x64xi32, #tpu.memory_space<hbm>>
      %dma_start3A_69 = tpu.memref_squeeze %dma_start3A_68 : memref<1x64xi32, #tpu.memory_space<hbm>> -> memref<64xi32, #tpu.memory_space<hbm>>
      tpu.enqueue_dma source(%dma_start3A_69 : memref<64xi32, #tpu.memory_space<hbm>>) target(%arg9 : memref<64xi32, #tpu.memory_space<vmem>>) target_semaphore(%run_scoped3A_65 : memref<!tpu.dma_semaphore, #tpu.memory_space<semaphore_mem>>)
      %dma_wait3A_70 = tpu.memref_slice %arg2[%run_scoped3A_21, %add3A_20] : memref<64x8192xi32, #tpu.memory_space<hbm>> -> memref<1x64xi32, #tpu.memory_space<hbm>>
      %dma_wait3A_71 = tpu.memref_squeeze %dma_wait3A_70 : memref<1x64xi32, #tpu.memory_space<hbm>> -> memref<64xi32, #tpu.memory_space<hbm>>
      %dma_wait3A_72 = tpu.memref_slice %arg2[%run_scoped3A_21, %add3A_20] : memref<64x8192xi32, #tpu.memory_space<hbm>> -> memref<1x64xi32, #tpu.memory_space<hbm>>
      %dma_wait3A_73 = tpu.memref_squeeze %dma_wait3A_72 : memref<1x64xi32, #tpu.memory_space<hbm>> -> memref<64xi32, #tpu.memory_space<hbm>>
      tpu.wait_dma2 semaphore(%run_scoped3A_65 : memref<!tpu.dma_semaphore, #tpu.memory_space<semaphore_mem>>) src(%dma_wait3A_73 : memref<64xi32, #tpu.memory_space<hbm>>) dst(%arg9 : memref<64xi32, #tpu.memory_space<vmem>>)
      tpu.yield
    }) : () -> ()
    %dma_start3A_22 = arith.constant 0 : i32
    %dma_start3A_23 = arith.constant 0 : i32
    %dma_start3A_24 = tpu.memref_slice %arg3[%dma_start3A_22, %dma_start3A_23] : memref<8192x128xf32, #tpu.memory_space<hbm>> -> memref<8192x128xf32, #tpu.memory_space<hbm>>
    tpu.enqueue_indirect_dma source(%dma_start3A_24 : memref<8192x128xf32, #tpu.memory_space<hbm>>) target(%arg14 : memref<64x128xf32, #tpu.memory_space<vmem>>) offsets(%arg9 : memref<64xi32, #tpu.memory_space<vmem>>) semaphore(%arg22 : memref<!tpu.dma_semaphore, #tpu.memory_space<semaphore_mem>>)
    %scan3A = arith.constant 0 : i32
    %scan3A_25 = arith.constant 0 : i32
    %scan3A_26 = arith.constant 64 : i32
    %scan3A_27 = arith.addi %scan3A_25, %scan3A_26 : i32
    %scan3A_28 = arith.constant 1 : i32
    scf.for %scan3A_65 = %scan3A_25 to %scan3A_27 step %scan3A_28  : i32 {
      %dma_wait3A_66 = arith.constant 0 : i32
      %dma_wait3A_67 = arith.constant 0 : i32
      %dma_wait3A_68 = tpu.memref_slice %arg3[%dma_wait3A_66, %dma_wait3A_67] : memref<8192x128xf32, #tpu.memory_space<hbm>> -> memref<8192x128xf32, #tpu.memory_space<hbm>>
      tpu.wait_indirect_dma semaphore(%arg19 : memref<!tpu.dma_semaphore, #tpu.memory_space<semaphore_mem>>) src(%dma_wait3A_68 : memref<8192x128xf32, #tpu.memory_space<hbm>>) dst(%arg11 : memref<64x128xf32, #tpu.memory_space<vmem>>)
      %lt3A = arith.constant 63 : i32
      %lt3A_69 = arith.cmpi slt, %scan3A_65, %lt3A : i32
      %convert_element_type3A = arith.extui %lt3A_69 : i1 to i32
      %cond3A = arith.constant 0 : i32
      %cond3A_70 = arith.cmpi ne, %convert_element_type3A, %cond3A : i32
      scf.if %cond3A_70 {
        %add3A_190 = arith.constant 1 : i32
        %add3A_191 = arith.addi %scan3A_65, %add3A_190 : i32
        %add3A_192 = arith.constant 0 : i32
        %add3A_193 = arith.addi %mul3A_2, %add3A_192 : i32
        %dma_start3A_194 = tpu.memref_slice %arg2[%add3A_191, %add3A_193] : memref<64x8192xi32, #tpu.memory_space<hbm>> -> memref<1x64xi32, #tpu.memory_space<hbm>>
        %dma_start3A_195 = tpu.memref_squeeze %dma_start3A_194 : memref<1x64xi32, #tpu.memory_space<hbm>> -> memref<64xi32, #tpu.memory_space<hbm>>
        %dma_start3A_196 = tpu.memref_slice %arg2[%add3A_191, %add3A_193] : memref<64x8192xi32, #tpu.memory_space<hbm>> -> memref<1x64xi32, #tpu.memory_space<hbm>>
        %dma_start3A_197 = tpu.memref_squeeze %dma_start3A_196 : memref<1x64xi32, #tpu.memory_space<hbm>> -> memref<64xi32, #tpu.memory_space<hbm>>
        tpu.enqueue_dma source(%dma_start3A_197 : memref<64xi32, #tpu.memory_space<hbm>>) target(%arg6 : memref<64xi32, #tpu.memory_space<vmem>>) target_semaphore(%arg27 : memref<!tpu.dma_semaphore, #tpu.memory_space<semaphore_mem>>)
      } else {
      }
      %gt3A = arith.constant 0 : i32
      %gt3A_71 = arith.cmpi sgt, %scan3A_65, %gt3A : i32
      %convert_element_type3A_72 = arith.extui %gt3A_71 : i1 to i32
      %cond3A_73 = arith.constant 0 : i32
      %cond3A_74 = arith.cmpi ne, %convert_element_type3A_72, %cond3A_73 : i32
      scf.if %cond3A_74 {
        %sub3A = arith.constant 1 : i32
        %sub3A_190 = arith.subi %scan3A_65, %sub3A : i32
        %add3A_191 = arith.constant 0 : i32
        %add3A_192 = arith.addi %mul3A_2, %add3A_191 : i32
        %dma_wait3A_193 = arith.constant 0 : i32
        %dma_wait3A_194 = tpu.memref_slice %arg5[%sub3A_190, %add3A_192, %dma_wait3A_193] : memref<64x8192x64xf32, #tpu.memory_space<hbm>> -> memref<1x64x64xf32, #tpu.memory_space<hbm>>
        %dma_wait3A_195 = tpu.memref_squeeze %dma_wait3A_194 : memref<1x64x64xf32, #tpu.memory_space<hbm>> -> memref<64x64xf32, #tpu.memory_space<hbm>>
        %dma_wait3A_196 = arith.constant 0 : i32
        %dma_wait3A_197 = tpu.memref_slice %arg5[%sub3A_190, %add3A_192, %dma_wait3A_196] : memref<64x8192x64xf32, #tpu.memory_space<hbm>> -> memref<1x64x64xf32, #tpu.memory_space<hbm>>
        %dma_wait3A_198 = tpu.memref_squeeze %dma_wait3A_197 : memref<1x64x64xf32, #tpu.memory_space<hbm>> -> memref<64x64xf32, #tpu.memory_space<hbm>>
        tpu.wait_dma2 semaphore(%arg23 : memref<!tpu.dma_semaphore, #tpu.memory_space<semaphore_mem>>) src(%arg15 : memref<64x64xf32, #tpu.memory_space<vmem>>) dst(%dma_wait3A_198 : memref<64x64xf32, #tpu.memory_space<hbm>>)
      } else {
      }
      %scan3A_75 = arith.constant 0 : i32
      %scan3A_76 = arith.constant 0 : i32
      %scan3A_77 = arith.constant 64 : i32
      %scan3A_78 = arith.addi %scan3A_76, %scan3A_77 : i32
      %scan3A_79 = arith.constant 1 : i32
      scf.for %scan3A_190 = %scan3A_76 to %scan3A_78 step %scan3A_79  : i32 {
        %get3A = arith.index_cast %scan3A_190 : i32 to index
        %get3A_191 = arith.constant 0 : index
        %get3A_192 = tpu.vector_load %arg11[%get3A, %get3A_191] {strides = array<i32>} : memref<64x128xf32, #tpu.memory_space<vmem>>, vector<1x16xf32>,
        %get3A_193 = vector.shape_cast %get3A_192 : vector<1x16xf32> to vector<16xf32>
        %add3A_194 = arith.constant 0 : i32
        %add3A_195 = arith.addi %scan3A_190, %add3A_194 : i32
        %get3A_196 = arith.index_cast %add3A_195 : i32 to index
        %get3A_197 = arith.constant 0 : index
        %get3A_198 = tpu.vector_load %arg10[%get3A_196, %get3A_197] {strides = array<i32>} : memref<256x64xf32, #tpu.memory_space<vmem>>, vector<1x16xf32>,
        %get3A_199 = vector.shape_cast %get3A_198 : vector<1x16xf32> to vector<16xf32>
        %add3A_200 = arith.addf %get3A_193, %get3A_199 : vector<16xf32>
        %swap3A = arith.index_cast %scan3A_190 : i32 to index
        %swap3A_201 = arith.constant 0 : index
        %swap3A_202 = tpu.vector_load %arg15[%swap3A, %swap3A_201] {strides = array<i32>} : memref<64x64xf32, #tpu.memory_space<vmem>>, vector<1x16xf32>,
        %swap3A_203 = vector.shape_cast %swap3A_202 : vector<1x16xf32> to vector<16xf32>
        %swap3A_204 = vector.shape_cast %add3A_200 : vector<16xf32> to vector<1x16xf32>
        tpu.vector_store %arg15[%swap3A, %swap3A_201], %swap3A_204 {strides = array<i32>} : memref<64x64xf32, #tpu.memory_space<vmem>>, vector<1x16xf32>,
        %get3A_205 = arith.index_cast %scan3A_190 : i32 to index
        %get3A_206 = arith.constant 16 : index
        %get3A_207 = tpu.vector_load %arg11[%get3A_205, %get3A_206] {strides = array<i32>} : memref<64x128xf32, #tpu.memory_space<vmem>>, vector<1x16xf32>,
        %get3A_208 = vector.shape_cast %get3A_207 : vector<1x16xf32> to vector<16xf32>
        %add3A_209 = arith.constant 0 : i32
        %add3A_210 = arith.addi %scan3A_190, %add3A_209 : i32
        %get3A_211 = arith.index_cast %add3A_210 : i32 to index
        %get3A_212 = arith.constant 16 : index
        %get3A_213 = tpu.vector_load %arg10[%get3A_211, %get3A_212] {strides = array<i32>} : memref<256x64xf32, #tpu.memory_space<vmem>>, vector<1x16xf32>,
        %get3A_214 = vector.shape_cast %get3A_213 : vector<1x16xf32> to vector<16xf32>
        %add3A_215 = arith.addf %get3A_208, %get3A_214 : vector<16xf32>
        %swap3A_216 = arith.index_cast %scan3A_190 : i32 to index
        %swap3A_217 = arith.constant 16 : index
        %swap3A_218 = tpu.vector_load %arg15[%swap3A_216, %swap3A_217] {strides = array<i32>} : memref<64x64xf32, #tpu.memory_space<vmem>>, vector<1x16xf32>,
        %swap3A_219 = vector.shape_cast %swap3A_218 : vector<1x16xf32> to vector<16xf32>
        %swap3A_220 = vector.shape_cast %add3A_215 : vector<16xf32> to vector<1x16xf32>
        tpu.vector_store %arg15[%swap3A_216, %swap3A_217], %swap3A_220 {strides = array<i32>} : memref<64x64xf32, #tpu.memory_space<vmem>>, vector<1x16xf32>,
        %get3A_221 = arith.index_cast %scan3A_190 : i32 to index
        %get3A_222 = arith.constant 32 : index
        %get3A_223 = tpu.vector_load %arg11[%get3A_221, %get3A_222] {strides = array<i32>} : memref<64x128xf32, #tpu.memory_space<vmem>>, vector<1x16xf32>,
        %get3A_224 = vector.shape_cast %get3A_223 : vector<1x16xf32> to vector<16xf32>
        %add3A_225 = arith.constant 0 : i32
        %add3A_226 = arith.addi %scan3A_190, %add3A_225 : i32
        %get3A_227 = arith.index_cast %add3A_226 : i32 to index
        %get3A_228 = arith.constant 32 : index
        %get3A_229 = tpu.vector_load %arg10[%get3A_227, %get3A_228] {strides = array<i32>} : memref<256x64xf32, #tpu.memory_space<vmem>>, vector<1x16xf32>,
        %get3A_230 = vector.shape_cast %get3A_229 : vector<1x16xf32> to vector<16xf32>
        %add3A_231 = arith.addf %get3A_224, %get3A_230 : vector<16xf32>
        %swap3A_232 = arith.index_cast %scan3A_190 : i32 to index
        %swap3A_233 = arith.constant 32 : index
        %swap3A_234 = tpu.vector_load %arg15[%swap3A_232, %swap3A_233] {strides = array<i32>} : memref<64x64xf32, #tpu.memory_space<vmem>>, vector<1x16xf32>,
        %swap3A_235 = vector.shape_cast %swap3A_234 : vector<1x16xf32> to vector<16xf32>
        %swap3A_236 = vector.shape_cast %add3A_231 : vector<16xf32> to vector<1x16xf32>
        tpu.vector_store %arg15[%swap3A_232, %swap3A_233], %swap3A_236 {strides = array<i32>} : memref<64x64xf32, #tpu.memory_space<vmem>>, vector<1x16xf32>,
        %get3A_237 = arith.index_cast %scan3A_190 : i32 to index
        %get3A_238 = arith.constant 48 : index
        %get3A_239 = tpu.vector_load %arg11[%get3A_237, %get3A_238] {strides = array<i32>} : memref<64x128xf32, #tpu.memory_space<vmem>>, vector<1x16xf32>,
        %get3A_240 = vector.shape_cast %get3A_239 : vector<1x16xf32> to vector<16xf32>
        %add3A_241 = arith.constant 0 : i32
        %add3A_242 = arith.addi %scan3A_190, %add3A_241 : i32
        %get3A_243 = arith.index_cast %add3A_242 : i32 to index
        %get3A_244 = arith.constant 48 : index
        %get3A_245 = tpu.vector_load %arg10[%get3A_243, %get3A_244] {strides = array<i32>} : memref<256x64xf32, #tpu.memory_space<vmem>>, vector<1x16xf32>,
        %get3A_246 = vector.shape_cast %get3A_245 : vector<1x16xf32> to vector<16xf32>
        %add3A_247 = arith.addf %get3A_240, %get3A_246 : vector<16xf32>
        %swap3A_248 = arith.index_cast %scan3A_190 : i32 to index
        %swap3A_249 = arith.constant 48 : index
        %swap3A_250 = tpu.vector_load %arg15[%swap3A_248, %swap3A_249] {strides = array<i32>} : memref<64x64xf32, #tpu.memory_space<vmem>>, vector<1x16xf32>,
        %swap3A_251 = vector.shape_cast %swap3A_250 : vector<1x16xf32> to vector<16xf32>
        %swap3A_252 = vector.shape_cast %add3A_247 : vector<16xf32> to vector<1x16xf32>
        tpu.vector_store %arg15[%swap3A_248, %swap3A_249], %swap3A_252 {strides = array<i32>} : memref<64x64xf32, #tpu.memory_space<vmem>>, vector<1x16xf32>,
      }
      %scan3A_80 = arith.constant 64 : i32
      %add3A_81 = arith.constant 0 : i32
      %add3A_82 = arith.addi %mul3A_2, %add3A_81 : i32
      %dma_start3A_83 = arith.constant 0 : i32
      %dma_start3A_84 = tpu.memref_slice %arg5[%scan3A_65, %add3A_82, %dma_start3A_83] : memref<64x8192x64xf32, #tpu.memory_space<hbm>> -> memref<1x64x64xf32, #tpu.memory_space<hbm>>
      %dma_start3A_85 = tpu.memref_squeeze %dma_start3A_84 : memref<1x64x64xf32, #tpu.memory_space<hbm>> -> memref<64x64xf32, #tpu.memory_space<hbm>>
      %dma_start3A_86 = arith.constant 0 : i32
      %dma_start3A_87 = tpu.memref_slice %arg5[%scan3A_65, %add3A_82, %dma_start3A_86] : memref<64x8192x64xf32, #tpu.memory_space<hbm>> -> memref<1x64x64xf32, #tpu.memory_space<hbm>>
      %dma_start3A_88 = tpu.memref_squeeze %dma_start3A_87 : memref<1x64x64xf32, #tpu.memory_space<hbm>> -> memref<64x64xf32, #tpu.memory_space<hbm>>
      tpu.enqueue_dma source(%arg15 : memref<64x64xf32, #tpu.memory_space<vmem>>) target(%dma_start3A_88 : memref<64x64xf32, #tpu.memory_space<hbm>>) target_semaphore(%arg23 : memref<!tpu.dma_semaphore, #tpu.memory_space<semaphore_mem>>)
      %lt3A_89 = arith.constant 63 : i32
      %lt3A_90 = arith.cmpi slt, %scan3A_65, %lt3A_89 : i32
      %convert_element_type3A_91 = arith.extui %lt3A_90 : i1 to i32
      %cond3A_92 = arith.constant 0 : i32
      %cond3A_93 = arith.cmpi ne, %convert_element_type3A_91, %cond3A_92 : i32
      scf.if %cond3A_93 {
        %add3A_190 = arith.constant 1 : i32
        %add3A_191 = arith.addi %scan3A_65, %add3A_190 : i32
        %add3A_192 = arith.constant 0 : i32
        %add3A_193 = arith.addi %mul3A_2, %add3A_192 : i32
        %dma_wait3A_194 = tpu.memref_slice %arg2[%add3A_191, %add3A_193] : memref<64x8192xi32, #tpu.memory_space<hbm>> -> memref<1x64xi32, #tpu.memory_space<hbm>>
        %dma_wait3A_195 = tpu.memref_squeeze %dma_wait3A_194 : memref<1x64xi32, #tpu.memory_space<hbm>> -> memref<64xi32, #tpu.memory_space<hbm>>
        %dma_wait3A_196 = tpu.memref_slice %arg2[%add3A_191, %add3A_193] : memref<64x8192xi32, #tpu.memory_space<hbm>> -> memref<1x64xi32, #tpu.memory_space<hbm>>
        %dma_wait3A_197 = tpu.memref_squeeze %dma_wait3A_196 : memref<1x64xi32, #tpu.memory_space<hbm>> -> memref<64xi32, #tpu.memory_space<hbm>>
        tpu.wait_dma2 semaphore(%arg27 : memref<!tpu.dma_semaphore, #tpu.memory_space<semaphore_mem>>) src(%dma_wait3A_197 : memref<64xi32, #tpu.memory_space<hbm>>) dst(%arg6 : memref<64xi32, #tpu.memory_space<vmem>>)
        %dma_start3A_198 = arith.constant 0 : i32
        %dma_start3A_199 = arith.constant 0 : i32
        %dma_start3A_200 = tpu.memref_slice %arg3[%dma_start3A_198, %dma_start3A_199] : memref<8192x128xf32, #tpu.memory_space<hbm>> -> memref<8192x128xf32, #tpu.memory_space<hbm>>
        tpu.enqueue_indirect_dma source(%dma_start3A_200 : memref<8192x128xf32, #tpu.memory_space<hbm>>) target(%arg11 : memref<64x128xf32, #tpu.memory_space<vmem>>) offsets(%arg6 : memref<64xi32, #tpu.memory_space<vmem>>) semaphore(%arg19 : memref<!tpu.dma_semaphore, #tpu.memory_space<semaphore_mem>>)
      } else {
      }
      %dma_wait3A_94 = arith.constant 0 : i32
      %dma_wait3A_95 = arith.constant 0 : i32
      %dma_wait3A_96 = tpu.memref_slice %arg3[%dma_wait3A_94, %dma_wait3A_95] : memref<8192x128xf32, #tpu.memory_space<hbm>> -> memref<8192x128xf32, #tpu.memory_space<hbm>>
      tpu.wait_indirect_dma semaphore(%arg20 : memref<!tpu.dma_semaphore, #tpu.memory_space<semaphore_mem>>) src(%dma_wait3A_96 : memref<8192x128xf32, #tpu.memory_space<hbm>>) dst(%arg12 : memref<64x128xf32, #tpu.memory_space<vmem>>)
      %lt3A_97 = arith.constant 63 : i32
      %lt3A_98 = arith.cmpi slt, %scan3A_65, %lt3A_97 : i32
      %convert_element_type3A_99 = arith.extui %lt3A_98 : i1 to i32
      %cond3A_100 = arith.constant 0 : i32
      %cond3A_101 = arith.cmpi ne, %convert_element_type3A_99, %cond3A_100 : i32
      scf.if %cond3A_101 {
        %add3A_190 = arith.constant 1 : i32
        %add3A_191 = arith.addi %scan3A_65, %add3A_190 : i32
        %add3A_192 = arith.constant 64 : i32
        %add3A_193 = arith.addi %mul3A_2, %add3A_192 : i32
        %dma_start3A_194 = tpu.memref_slice %arg2[%add3A_191, %add3A_193] : memref<64x8192xi32, #tpu.memory_space<hbm>> -> memref<1x64xi32, #tpu.memory_space<hbm>>
        %dma_start3A_195 = tpu.memref_squeeze %dma_start3A_194 : memref<1x64xi32, #tpu.memory_space<hbm>> -> memref<64xi32, #tpu.memory_space<hbm>>
        %dma_start3A_196 = tpu.memref_slice %arg2[%add3A_191, %add3A_193] : memref<64x8192xi32, #tpu.memory_space<hbm>> -> memref<1x64xi32, #tpu.memory_space<hbm>>
        %dma_start3A_197 = tpu.memref_squeeze %dma_start3A_196 : memref<1x64xi32, #tpu.memory_space<hbm>> -> memref<64xi32, #tpu.memory_space<hbm>>
        tpu.enqueue_dma source(%dma_start3A_197 : memref<64xi32, #tpu.memory_space<hbm>>) target(%arg7 : memref<64xi32, #tpu.memory_space<vmem>>) target_semaphore(%arg28 : memref<!tpu.dma_semaphore, #tpu.memory_space<semaphore_mem>>)
      } else {
      }
      %gt3A_102 = arith.constant 0 : i32
      %gt3A_103 = arith.cmpi sgt, %scan3A_65, %gt3A_102 : i32
      %convert_element_type3A_104 = arith.extui %gt3A_103 : i1 to i32
      %cond3A_105 = arith.constant 0 : i32
      %cond3A_106 = arith.cmpi ne, %convert_element_type3A_104, %cond3A_105 : i32
      scf.if %cond3A_106 {
        %sub3A = arith.constant 1 : i32
        %sub3A_190 = arith.subi %scan3A_65, %sub3A : i32
        %add3A_191 = arith.constant 64 : i32
        %add3A_192 = arith.addi %mul3A_2, %add3A_191 : i32
        %dma_wait3A_193 = arith.constant 0 : i32
        %dma_wait3A_194 = tpu.memref_slice %arg5[%sub3A_190, %add3A_192, %dma_wait3A_193] : memref<64x8192x64xf32, #tpu.memory_space<hbm>> -> memref<1x64x64xf32, #tpu.memory_space<hbm>>
        %dma_wait3A_195 = tpu.memref_squeeze %dma_wait3A_194 : memref<1x64x64xf32, #tpu.memory_space<hbm>> -> memref<64x64xf32, #tpu.memory_space<hbm>>
        %dma_wait3A_196 = arith.constant 0 : i32
        %dma_wait3A_197 = tpu.memref_slice %arg5[%sub3A_190, %add3A_192, %dma_wait3A_196] : memref<64x8192x64xf32, #tpu.memory_space<hbm>> -> memref<1x64x64xf32, #tpu.memory_space<hbm>>
        %dma_wait3A_198 = tpu.memref_squeeze %dma_wait3A_197 : memref<1x64x64xf32, #tpu.memory_space<hbm>> -> memref<64x64xf32, #tpu.memory_space<hbm>>
        tpu.wait_dma2 semaphore(%arg24 : memref<!tpu.dma_semaphore, #tpu.memory_space<semaphore_mem>>) src(%arg16 : memref<64x64xf32, #tpu.memory_space<vmem>>) dst(%dma_wait3A_198 : memref<64x64xf32, #tpu.memory_space<hbm>>)
      } else {
      }
      %scan3A_107 = arith.constant 0 : i32
      %scan3A_108 = arith.constant 0 : i32
      %scan3A_109 = arith.constant 64 : i32
      %scan3A_110 = arith.addi %scan3A_108, %scan3A_109 : i32
      %scan3A_111 = arith.constant 1 : i32
      scf.for %scan3A_190 = %scan3A_108 to %scan3A_110 step %scan3A_111  : i32 {
        %get3A = arith.index_cast %scan3A_190 : i32 to index
        %get3A_191 = arith.constant 0 : index
        %get3A_192 = tpu.vector_load %arg12[%get3A, %get3A_191] {strides = array<i32>} : memref<64x128xf32, #tpu.memory_space<vmem>>, vector<1x16xf32>,
        %get3A_193 = vector.shape_cast %get3A_192 : vector<1x16xf32> to vector<16xf32>
        %add3A_194 = arith.constant 64 : i32
        %add3A_195 = arith.addi %scan3A_190, %add3A_194 : i32
        %get3A_196 = arith.index_cast %add3A_195 : i32 to index
        %get3A_197 = arith.constant 0 : index
        %get3A_198 = tpu.vector_load %arg10[%get3A_196, %get3A_197] {strides = array<i32>} : memref<256x64xf32, #tpu.memory_space<vmem>>, vector<1x16xf32>,
        %get3A_199 = vector.shape_cast %get3A_198 : vector<1x16xf32> to vector<16xf32>
        %add3A_200 = arith.addf %get3A_193, %get3A_199 : vector<16xf32>
        %swap3A = arith.index_cast %scan3A_190 : i32 to index
        %swap3A_201 = arith.constant 0 : index
        %swap3A_202 = tpu.vector_load %arg16[%swap3A, %swap3A_201] {strides = array<i32>} : memref<64x64xf32, #tpu.memory_space<vmem>>, vector<1x16xf32>,
        %swap3A_203 = vector.shape_cast %swap3A_202 : vector<1x16xf32> to vector<16xf32>
        %swap3A_204 = vector.shape_cast %add3A_200 : vector<16xf32> to vector<1x16xf32>
        tpu.vector_store %arg16[%swap3A, %swap3A_201], %swap3A_204 {strides = array<i32>} : memref<64x64xf32, #tpu.memory_space<vmem>>, vector<1x16xf32>,
        %get3A_205 = arith.index_cast %scan3A_190 : i32 to index
        %get3A_206 = arith.constant 16 : index
        %get3A_207 = tpu.vector_load %arg12[%get3A_205, %get3A_206] {strides = array<i32>} : memref<64x128xf32, #tpu.memory_space<vmem>>, vector<1x16xf32>,
        %get3A_208 = vector.shape_cast %get3A_207 : vector<1x16xf32> to vector<16xf32>
        %add3A_209 = arith.constant 64 : i32
        %add3A_210 = arith.addi %scan3A_190, %add3A_209 : i32
        %get3A_211 = arith.index_cast %add3A_210 : i32 to index
        %get3A_212 = arith.constant 16 : index
        %get3A_213 = tpu.vector_load %arg10[%get3A_211, %get3A_212] {strides = array<i32>} : memref<256x64xf32, #tpu.memory_space<vmem>>, vector<1x16xf32>,
        %get3A_214 = vector.shape_cast %get3A_213 : vector<1x16xf32> to vector<16xf32>
        %add3A_215 = arith.addf %get3A_208, %get3A_214 : vector<16xf32>
        %swap3A_216 = arith.index_cast %scan3A_190 : i32 to index
        %swap3A_217 = arith.constant 16 : index
        %swap3A_218 = tpu.vector_load %arg16[%swap3A_216, %swap3A_217] {strides = array<i32>} : memref<64x64xf32, #tpu.memory_space<vmem>>, vector<1x16xf32>,
        %swap3A_219 = vector.shape_cast %swap3A_218 : vector<1x16xf32> to vector<16xf32>
        %swap3A_220 = vector.shape_cast %add3A_215 : vector<16xf32> to vector<1x16xf32>
        tpu.vector_store %arg16[%swap3A_216, %swap3A_217], %swap3A_220 {strides = array<i32>} : memref<64x64xf32, #tpu.memory_space<vmem>>, vector<1x16xf32>,
        %get3A_221 = arith.index_cast %scan3A_190 : i32 to index
        %get3A_222 = arith.constant 32 : index
        %get3A_223 = tpu.vector_load %arg12[%get3A_221, %get3A_222] {strides = array<i32>} : memref<64x128xf32, #tpu.memory_space<vmem>>, vector<1x16xf32>,
        %get3A_224 = vector.shape_cast %get3A_223 : vector<1x16xf32> to vector<16xf32>
        %add3A_225 = arith.constant 64 : i32
        %add3A_226 = arith.addi %scan3A_190, %add3A_225 : i32
        %get3A_227 = arith.index_cast %add3A_226 : i32 to index
        %get3A_228 = arith.constant 32 : index
        %get3A_229 = tpu.vector_load %arg10[%get3A_227, %get3A_228] {strides = array<i32>} : memref<256x64xf32, #tpu.memory_space<vmem>>, vector<1x16xf32>,
        %get3A_230 = vector.shape_cast %get3A_229 : vector<1x16xf32> to vector<16xf32>
        %add3A_231 = arith.addf %get3A_224, %get3A_230 : vector<16xf32>
        %swap3A_232 = arith.index_cast %scan3A_190 : i32 to index
        %swap3A_233 = arith.constant 32 : index
        %swap3A_234 = tpu.vector_load %arg16[%swap3A_232, %swap3A_233] {strides = array<i32>} : memref<64x64xf32, #tpu.memory_space<vmem>>, vector<1x16xf32>,
        %swap3A_235 = vector.shape_cast %swap3A_234 : vector<1x16xf32> to vector<16xf32>
        %swap3A_236 = vector.shape_cast %add3A_231 : vector<16xf32> to vector<1x16xf32>
        tpu.vector_store %arg16[%swap3A_232, %swap3A_233], %swap3A_236 {strides = array<i32>} : memref<64x64xf32, #tpu.memory_space<vmem>>, vector<1x16xf32>,
        %get3A_237 = arith.index_cast %scan3A_190 : i32 to index
        %get3A_238 = arith.constant 48 : index
        %get3A_239 = tpu.vector_load %arg12[%get3A_237, %get3A_238] {strides = array<i32>} : memref<64x128xf32, #tpu.memory_space<vmem>>, vector<1x16xf32>,
        %get3A_240 = vector.shape_cast %get3A_239 : vector<1x16xf32> to vector<16xf32>
        %add3A_241 = arith.constant 64 : i32
        %add3A_242 = arith.addi %scan3A_190, %add3A_241 : i32
        %get3A_243 = arith.index_cast %add3A_242 : i32 to index
        %get3A_244 = arith.constant 48 : index
        %get3A_245 = tpu.vector_load %arg10[%get3A_243, %get3A_244] {strides = array<i32>} : memref<256x64xf32, #tpu.memory_space<vmem>>, vector<1x16xf32>,
        %get3A_246 = vector.shape_cast %get3A_245 : vector<1x16xf32> to vector<16xf32>
        %add3A_247 = arith.addf %get3A_240, %get3A_246 : vector<16xf32>
        %swap3A_248 = arith.index_cast %scan3A_190 : i32 to index
        %swap3A_249 = arith.constant 48 : index
        %swap3A_250 = tpu.vector_load %arg16[%swap3A_248, %swap3A_249] {strides = array<i32>} : memref<64x64xf32, #tpu.memory_space<vmem>>, vector<1x16xf32>,
        %swap3A_251 = vector.shape_cast %swap3A_250 : vector<1x16xf32> to vector<16xf32>
        %swap3A_252 = vector.shape_cast %add3A_247 : vector<16xf32> to vector<1x16xf32>
        tpu.vector_store %arg16[%swap3A_248, %swap3A_249], %swap3A_252 {strides = array<i32>} : memref<64x64xf32, #tpu.memory_space<vmem>>, vector<1x16xf32>,
      }
      %scan3A_112 = arith.constant 64 : i32
      %add3A_113 = arith.constant 64 : i32
      %add3A_114 = arith.addi %mul3A_2, %add3A_113 : i32
      %dma_start3A_115 = arith.constant 0 : i32
      %dma_start3A_116 = tpu.memref_slice %arg5[%scan3A_65, %add3A_114, %dma_start3A_115] : memref<64x8192x64xf32, #tpu.memory_space<hbm>> -> memref<1x64x64xf32, #tpu.memory_space<hbm>>
      %dma_start3A_117 = tpu.memref_squeeze %dma_start3A_116 : memref<1x64x64xf32, #tpu.memory_space<hbm>> -> memref<64x64xf32, #tpu.memory_space<hbm>>
      %dma_start3A_118 = arith.constant 0 : i32
      %dma_start3A_119 = tpu.memref_slice %arg5[%scan3A_65, %add3A_114, %dma_start3A_118] : memref<64x8192x64xf32, #tpu.memory_space<hbm>> -> memref<1x64x64xf32, #tpu.memory_space<hbm>>
      %dma_start3A_120 = tpu.memref_squeeze %dma_start3A_119 : memref<1x64x64xf32, #tpu.memory_space<hbm>> -> memref<64x64xf32, #tpu.memory_space<hbm>>
      tpu.enqueue_dma source(%arg16 : memref<64x64xf32, #tpu.memory_space<vmem>>) target(%dma_start3A_120 : memref<64x64xf32, #tpu.memory_space<hbm>>) target_semaphore(%arg24 : memref<!tpu.dma_semaphore, #tpu.memory_space<semaphore_mem>>)
      %lt3A_121 = arith.constant 63 : i32
      %lt3A_122 = arith.cmpi slt, %scan3A_65, %lt3A_121 : i32
      %convert_element_type3A_123 = arith.extui %lt3A_122 : i1 to i32
      %cond3A_124 = arith.constant 0 : i32
      %cond3A_125 = arith.cmpi ne, %convert_element_type3A_123, %cond3A_124 : i32
      scf.if %cond3A_125 {
        %add3A_190 = arith.constant 1 : i32
        %add3A_191 = arith.addi %scan3A_65, %add3A_190 : i32
        %add3A_192 = arith.constant 64 : i32
        %add3A_193 = arith.addi %mul3A_2, %add3A_192 : i32
        %dma_wait3A_194 = tpu.memref_slice %arg2[%add3A_191, %add3A_193] : memref<64x8192xi32, #tpu.memory_space<hbm>> -> memref<1x64xi32, #tpu.memory_space<hbm>>
        %dma_wait3A_195 = tpu.memref_squeeze %dma_wait3A_194 : memref<1x64xi32, #tpu.memory_space<hbm>> -> memref<64xi32, #tpu.memory_space<hbm>>
        %dma_wait3A_196 = tpu.memref_slice %arg2[%add3A_191, %add3A_193] : memref<64x8192xi32, #tpu.memory_space<hbm>> -> memref<1x64xi32, #tpu.memory_space<hbm>>
        %dma_wait3A_197 = tpu.memref_squeeze %dma_wait3A_196 : memref<1x64xi32, #tpu.memory_space<hbm>> -> memref<64xi32, #tpu.memory_space<hbm>>
        tpu.wait_dma2 semaphore(%arg28 : memref<!tpu.dma_semaphore, #tpu.memory_space<semaphore_mem>>) src(%dma_wait3A_197 : memref<64xi32, #tpu.memory_space<hbm>>) dst(%arg7 : memref<64xi32, #tpu.memory_space<vmem>>)
        %dma_start3A_198 = arith.constant 0 : i32
        %dma_start3A_199 = arith.constant 0 : i32
        %dma_start3A_200 = tpu.memref_slice %arg3[%dma_start3A_198, %dma_start3A_199] : memref<8192x128xf32, #tpu.memory_space<hbm>> -> memref<8192x128xf32, #tpu.memory_space<hbm>>
        tpu.enqueue_indirect_dma source(%dma_start3A_200 : memref<8192x128xf32, #tpu.memory_space<hbm>>) target(%arg12 : memref<64x128xf32, #tpu.memory_space<vmem>>) offsets(%arg7 : memref<64xi32, #tpu.memory_space<vmem>>) semaphore(%arg20 : memref<!tpu.dma_semaphore, #tpu.memory_space<semaphore_mem>>)
      } else {
      }
      %dma_wait3A_126 = arith.constant 0 : i32
      %dma_wait3A_127 = arith.constant 0 : i32
      %dma_wait3A_128 = tpu.memref_slice %arg3[%dma_wait3A_126, %dma_wait3A_127] : memref<8192x128xf32, #tpu.memory_space<hbm>> -> memref<8192x128xf32, #tpu.memory_space<hbm>>
      tpu.wait_indirect_dma semaphore(%arg21 : memref<!tpu.dma_semaphore, #tpu.memory_space<semaphore_mem>>) src(%dma_wait3A_128 : memref<8192x128xf32, #tpu.memory_space<hbm>>) dst(%arg13 : memref<64x128xf32, #tpu.memory_space<vmem>>)
      %lt3A_129 = arith.constant 63 : i32
      %lt3A_130 = arith.cmpi slt, %scan3A_65, %lt3A_129 : i32
      %convert_element_type3A_131 = arith.extui %lt3A_130 : i1 to i32
      %cond3A_132 = arith.constant 0 : i32
      %cond3A_133 = arith.cmpi ne, %convert_element_type3A_131, %cond3A_132 : i32
      scf.if %cond3A_133 {
        %add3A_190 = arith.constant 1 : i32
        %add3A_191 = arith.addi %scan3A_65, %add3A_190 : i32
        %add3A_192 = arith.constant 128 : i32
        %add3A_193 = arith.addi %mul3A_2, %add3A_192 : i32
        %dma_start3A_194 = tpu.memref_slice %arg2[%add3A_191, %add3A_193] : memref<64x8192xi32, #tpu.memory_space<hbm>> -> memref<1x64xi32, #tpu.memory_space<hbm>>
        %dma_start3A_195 = tpu.memref_squeeze %dma_start3A_194 : memref<1x64xi32, #tpu.memory_space<hbm>> -> memref<64xi32, #tpu.memory_space<hbm>>
        %dma_start3A_196 = tpu.memref_slice %arg2[%add3A_191, %add3A_193] : memref<64x8192xi32, #tpu.memory_space<hbm>> -> memref<1x64xi32, #tpu.memory_space<hbm>>
        %dma_start3A_197 = tpu.memref_squeeze %dma_start3A_196 : memref<1x64xi32, #tpu.memory_space<hbm>> -> memref<64xi32, #tpu.memory_space<hbm>>
        tpu.enqueue_dma source(%dma_start3A_197 : memref<64xi32, #tpu.memory_space<hbm>>) target(%arg8 : memref<64xi32, #tpu.memory_space<vmem>>) target_semaphore(%arg29 : memref<!tpu.dma_semaphore, #tpu.memory_space<semaphore_mem>>)
      } else {
      }
      %gt3A_134 = arith.constant 0 : i32
      %gt3A_135 = arith.cmpi sgt, %scan3A_65, %gt3A_134 : i32
      %convert_element_type3A_136 = arith.extui %gt3A_135 : i1 to i32
      %cond3A_137 = arith.constant 0 : i32
      %cond3A_138 = arith.cmpi ne, %convert_element_type3A_136, %cond3A_137 : i32
      scf.if %cond3A_138 {
        %sub3A = arith.constant 1 : i32
        %sub3A_190 = arith.subi %scan3A_65, %sub3A : i32
        %add3A_191 = arith.constant 128 : i32
        %add3A_192 = arith.addi %mul3A_2, %add3A_191 : i32
        %dma_wait3A_193 = arith.constant 0 : i32
        %dma_wait3A_194 = tpu.memref_slice %arg5[%sub3A_190, %add3A_192, %dma_wait3A_193] : memref<64x8192x64xf32, #tpu.memory_space<hbm>> -> memref<1x64x64xf32, #tpu.memory_space<hbm>>
        %dma_wait3A_195 = tpu.memref_squeeze %dma_wait3A_194 : memref<1x64x64xf32, #tpu.memory_space<hbm>> -> memref<64x64xf32, #tpu.memory_space<hbm>>
        %dma_wait3A_196 = arith.constant 0 : i32
        %dma_wait3A_197 = tpu.memref_slice %arg5[%sub3A_190, %add3A_192, %dma_wait3A_196] : memref<64x8192x64xf32, #tpu.memory_space<hbm>> -> memref<1x64x64xf32, #tpu.memory_space<hbm>>
        %dma_wait3A_198 = tpu.memref_squeeze %dma_wait3A_197 : memref<1x64x64xf32, #tpu.memory_space<hbm>> -> memref<64x64xf32, #tpu.memory_space<hbm>>
        tpu.wait_dma2 semaphore(%arg25 : memref<!tpu.dma_semaphore, #tpu.memory_space<semaphore_mem>>) src(%arg17 : memref<64x64xf32, #tpu.memory_space<vmem>>) dst(%dma_wait3A_198 : memref<64x64xf32, #tpu.memory_space<hbm>>)
      } else {
      }
      %scan3A_139 = arith.constant 0 : i32
      %scan3A_140 = arith.constant 0 : i32
      %scan3A_141 = arith.constant 64 : i32
      %scan3A_142 = arith.addi %scan3A_140, %scan3A_141 : i32
      %scan3A_143 = arith.constant 1 : i32
      scf.for %scan3A_190 = %scan3A_140 to %scan3A_142 step %scan3A_143  : i32 {
        %get3A = arith.index_cast %scan3A_190 : i32 to index
        %get3A_191 = arith.constant 0 : index
        %get3A_192 = tpu.vector_load %arg13[%get3A, %get3A_191] {strides = array<i32>} : memref<64x128xf32, #tpu.memory_space<vmem>>, vector<1x16xf32>,
        %get3A_193 = vector.shape_cast %get3A_192 : vector<1x16xf32> to vector<16xf32>
        %add3A_194 = arith.constant 128 : i32
        %add3A_195 = arith.addi %scan3A_190, %add3A_194 : i32
        %get3A_196 = arith.index_cast %add3A_195 : i32 to index
        %get3A_197 = arith.constant 0 : index
        %get3A_198 = tpu.vector_load %arg10[%get3A_196, %get3A_197] {strides = array<i32>} : memref<256x64xf32, #tpu.memory_space<vmem>>, vector<1x16xf32>,
        %get3A_199 = vector.shape_cast %get3A_198 : vector<1x16xf32> to vector<16xf32>
        %add3A_200 = arith.addf %get3A_193, %get3A_199 : vector<16xf32>
        %swap3A = arith.index_cast %scan3A_190 : i32 to index
        %swap3A_201 = arith.constant 0 : index
        %swap3A_202 = tpu.vector_load %arg17[%swap3A, %swap3A_201] {strides = array<i32>} : memref<64x64xf32, #tpu.memory_space<vmem>>, vector<1x16xf32>,
        %swap3A_203 = vector.shape_cast %swap3A_202 : vector<1x16xf32> to vector<16xf32>
        %swap3A_204 = vector.shape_cast %add3A_200 : vector<16xf32> to vector<1x16xf32>
        tpu.vector_store %arg17[%swap3A, %swap3A_201], %swap3A_204 {strides = array<i32>} : memref<64x64xf32, #tpu.memory_space<vmem>>, vector<1x16xf32>,
        %get3A_205 = arith.index_cast %scan3A_190 : i32 to index
        %get3A_206 = arith.constant 16 : index
        %get3A_207 = tpu.vector_load %arg13[%get3A_205, %get3A_206] {strides = array<i32>} : memref<64x128xf32, #tpu.memory_space<vmem>>, vector<1x16xf32>,
        %get3A_208 = vector.shape_cast %get3A_207 : vector<1x16xf32> to vector<16xf32>
        %add3A_209 = arith.constant 128 : i32
        %add3A_210 = arith.addi %scan3A_190, %add3A_209 : i32
        %get3A_211 = arith.index_cast %add3A_210 : i32 to index
        %get3A_212 = arith.constant 16 : index
        %get3A_213 = tpu.vector_load %arg10[%get3A_211, %get3A_212] {strides = array<i32>} : memref<256x64xf32, #tpu.memory_space<vmem>>, vector<1x16xf32>,
        %get3A_214 = vector.shape_cast %get3A_213 : vector<1x16xf32> to vector<16xf32>
        %add3A_215 = arith.addf %get3A_208, %get3A_214 : vector<16xf32>
        %swap3A_216 = arith.index_cast %scan3A_190 : i32 to index
        %swap3A_217 = arith.constant 16 : index
        %swap3A_218 = tpu.vector_load %arg17[%swap3A_216, %swap3A_217] {strides = array<i32>} : memref<64x64xf32, #tpu.memory_space<vmem>>, vector<1x16xf32>,
        %swap3A_219 = vector.shape_cast %swap3A_218 : vector<1x16xf32> to vector<16xf32>
        %swap3A_220 = vector.shape_cast %add3A_215 : vector<16xf32> to vector<1x16xf32>
        tpu.vector_store %arg17[%swap3A_216, %swap3A_217], %swap3A_220 {strides = array<i32>} : memref<64x64xf32, #tpu.memory_space<vmem>>, vector<1x16xf32>,
        %get3A_221 = arith.index_cast %scan3A_190 : i32 to index
        %get3A_222 = arith.constant 32 : index
        %get3A_223 = tpu.vector_load %arg13[%get3A_221, %get3A_222] {strides = array<i32>} : memref<64x128xf32, #tpu.memory_space<vmem>>, vector<1x16xf32>,
        %get3A_224 = vector.shape_cast %get3A_223 : vector<1x16xf32> to vector<16xf32>
        %add3A_225 = arith.constant 128 : i32
        %add3A_226 = arith.addi %scan3A_190, %add3A_225 : i32
        %get3A_227 = arith.index_cast %add3A_226 : i32 to index
        %get3A_228 = arith.constant 32 : index
        %get3A_229 = tpu.vector_load %arg10[%get3A_227, %get3A_228] {strides = array<i32>} : memref<256x64xf32, #tpu.memory_space<vmem>>, vector<1x16xf32>,
        %get3A_230 = vector.shape_cast %get3A_229 : vector<1x16xf32> to vector<16xf32>
        %add3A_231 = arith.addf %get3A_224, %get3A_230 : vector<16xf32>
        %swap3A_232 = arith.index_cast %scan3A_190 : i32 to index
        %swap3A_233 = arith.constant 32 : index
        %swap3A_234 = tpu.vector_load %arg17[%swap3A_232, %swap3A_233] {strides = array<i32>} : memref<64x64xf32, #tpu.memory_space<vmem>>, vector<1x16xf32>,
        %swap3A_235 = vector.shape_cast %swap3A_234 : vector<1x16xf32> to vector<16xf32>
        %swap3A_236 = vector.shape_cast %add3A_231 : vector<16xf32> to vector<1x16xf32>
        tpu.vector_store %arg17[%swap3A_232, %swap3A_233], %swap3A_236 {strides = array<i32>} : memref<64x64xf32, #tpu.memory_space<vmem>>, vector<1x16xf32>,
        %get3A_237 = arith.index_cast %scan3A_190 : i32 to index
        %get3A_238 = arith.constant 48 : index
        %get3A_239 = tpu.vector_load %arg13[%get3A_237, %get3A_238] {strides = array<i32>} : memref<64x128xf32, #tpu.memory_space<vmem>>, vector<1x16xf32>,
        %get3A_240 = vector.shape_cast %get3A_239 : vector<1x16xf32> to vector<16xf32>
        %add3A_241 = arith.constant 128 : i32
        %add3A_242 = arith.addi %scan3A_190, %add3A_241 : i32
        %get3A_243 = arith.index_cast %add3A_242 : i32 to index
        %get3A_244 = arith.constant 48 : index
        %get3A_245 = tpu.vector_load %arg10[%get3A_243, %get3A_244] {strides = array<i32>} : memref<256x64xf32, #tpu.memory_space<vmem>>, vector<1x16xf32>,
        %get3A_246 = vector.shape_cast %get3A_245 : vector<1x16xf32> to vector<16xf32>
        %add3A_247 = arith.addf %get3A_240, %get3A_246 : vector<16xf32>
        %swap3A_248 = arith.index_cast %scan3A_190 : i32 to index
        %swap3A_249 = arith.constant 48 : index
        %swap3A_250 = tpu.vector_load %arg17[%swap3A_248, %swap3A_249] {strides = array<i32>} : memref<64x64xf32, #tpu.memory_space<vmem>>, vector<1x16xf32>,
        %swap3A_251 = vector.shape_cast %swap3A_250 : vector<1x16xf32> to vector<16xf32>
        %swap3A_252 = vector.shape_cast %add3A_247 : vector<16xf32> to vector<1x16xf32>
        tpu.vector_store %arg17[%swap3A_248, %swap3A_249], %swap3A_252 {strides = array<i32>} : memref<64x64xf32, #tpu.memory_space<vmem>>, vector<1x16xf32>,
      }
      %scan3A_144 = arith.constant 64 : i32
      %add3A_145 = arith.constant 128 : i32
      %add3A_146 = arith.addi %mul3A_2, %add3A_145 : i32
      %dma_start3A_147 = arith.constant 0 : i32
      %dma_start3A_148 = tpu.memref_slice %arg5[%scan3A_65, %add3A_146, %dma_start3A_147] : memref<64x8192x64xf32, #tpu.memory_space<hbm>> -> memref<1x64x64xf32, #tpu.memory_space<hbm>>
      %dma_start3A_149 = tpu.memref_squeeze %dma_start3A_148 : memref<1x64x64xf32, #tpu.memory_space<hbm>> -> memref<64x64xf32, #tpu.memory_space<hbm>>
      %dma_start3A_150 = arith.constant 0 : i32
      %dma_start3A_151 = tpu.memref_slice %arg5[%scan3A_65, %add3A_146, %dma_start3A_150] : memref<64x8192x64xf32, #tpu.memory_space<hbm>> -> memref<1x64x64xf32, #tpu.memory_space<hbm>>
      %dma_start3A_152 = tpu.memref_squeeze %dma_start3A_151 : memref<1x64x64xf32, #tpu.memory_space<hbm>> -> memref<64x64xf32, #tpu.memory_space<hbm>>
      tpu.enqueue_dma source(%arg17 : memref<64x64xf32, #tpu.memory_space<vmem>>) target(%dma_start3A_152 : memref<64x64xf32, #tpu.memory_space<hbm>>) target_semaphore(%arg25 : memref<!tpu.dma_semaphore, #tpu.memory_space<semaphore_mem>>)
      %lt3A_153 = arith.constant 63 : i32
      %lt3A_154 = arith.cmpi slt, %scan3A_65, %lt3A_153 : i32
      %convert_element_type3A_155 = arith.extui %lt3A_154 : i1 to i32
      %cond3A_156 = arith.constant 0 : i32
      %cond3A_157 = arith.cmpi ne, %convert_element_type3A_155, %cond3A_156 : i32
      scf.if %cond3A_157 {
        %add3A_190 = arith.constant 1 : i32
        %add3A_191 = arith.addi %scan3A_65, %add3A_190 : i32
        %add3A_192 = arith.constant 128 : i32
        %add3A_193 = arith.addi %mul3A_2, %add3A_192 : i32
        %dma_wait3A_194 = tpu.memref_slice %arg2[%add3A_191, %add3A_193] : memref<64x8192xi32, #tpu.memory_space<hbm>> -> memref<1x64xi32, #tpu.memory_space<hbm>>
        %dma_wait3A_195 = tpu.memref_squeeze %dma_wait3A_194 : memref<1x64xi32, #tpu.memory_space<hbm>> -> memref<64xi32, #tpu.memory_space<hbm>>
        %dma_wait3A_196 = tpu.memref_slice %arg2[%add3A_191, %add3A_193] : memref<64x8192xi32, #tpu.memory_space<hbm>> -> memref<1x64xi32, #tpu.memory_space<hbm>>
        %dma_wait3A_197 = tpu.memref_squeeze %dma_wait3A_196 : memref<1x64xi32, #tpu.memory_space<hbm>> -> memref<64xi32, #tpu.memory_space<hbm>>
        tpu.wait_dma2 semaphore(%arg29 : memref<!tpu.dma_semaphore, #tpu.memory_space<semaphore_mem>>) src(%dma_wait3A_197 : memref<64xi32, #tpu.memory_space<hbm>>) dst(%arg8 : memref<64xi32, #tpu.memory_space<vmem>>)
        %dma_start3A_198 = arith.constant 0 : i32
        %dma_start3A_199 = arith.constant 0 : i32
        %dma_start3A_200 = tpu.memref_slice %arg3[%dma_start3A_198, %dma_start3A_199] : memref<8192x128xf32, #tpu.memory_space<hbm>> -> memref<8192x128xf32, #tpu.memory_space<hbm>>
        tpu.enqueue_indirect_dma source(%dma_start3A_200 : memref<8192x128xf32, #tpu.memory_space<hbm>>) target(%arg13 : memref<64x128xf32, #tpu.memory_space<vmem>>) offsets(%arg8 : memref<64xi32, #tpu.memory_space<vmem>>) semaphore(%arg21 : memref<!tpu.dma_semaphore, #tpu.memory_space<semaphore_mem>>)
      } else {
      }
      %dma_wait3A_158 = arith.constant 0 : i32
      %dma_wait3A_159 = arith.constant 0 : i32
      %dma_wait3A_160 = tpu.memref_slice %arg3[%dma_wait3A_158, %dma_wait3A_159] : memref<8192x128xf32, #tpu.memory_space<hbm>> -> memref<8192x128xf32, #tpu.memory_space<hbm>>
      tpu.wait_indirect_dma semaphore(%arg22 : memref<!tpu.dma_semaphore, #tpu.memory_space<semaphore_mem>>) src(%dma_wait3A_160 : memref<8192x128xf32, #tpu.memory_space<hbm>>) dst(%arg14 : memref<64x128xf32, #tpu.memory_space<vmem>>)
      %lt3A_161 = arith.constant 63 : i32
      %lt3A_162 = arith.cmpi slt, %scan3A_65, %lt3A_161 : i32
      %convert_element_type3A_163 = arith.extui %lt3A_162 : i1 to i32
      %cond3A_164 = arith.constant 0 : i32
      %cond3A_165 = arith.cmpi ne, %convert_element_type3A_163, %cond3A_164 : i32
      scf.if %cond3A_165 {
        %add3A_190 = arith.constant 1 : i32
        %add3A_191 = arith.addi %scan3A_65, %add3A_190 : i32
        %add3A_192 = arith.constant 192 : i32
        %add3A_193 = arith.addi %mul3A_2, %add3A_192 : i32
        %dma_start3A_194 = tpu.memref_slice %arg2[%add3A_191, %add3A_193] : memref<64x8192xi32, #tpu.memory_space<hbm>> -> memref<1x64xi32, #tpu.memory_space<hbm>>
        %dma_start3A_195 = tpu.memref_squeeze %dma_start3A_194 : memref<1x64xi32, #tpu.memory_space<hbm>> -> memref<64xi32, #tpu.memory_space<hbm>>
        %dma_start3A_196 = tpu.memref_slice %arg2[%add3A_191, %add3A_193] : memref<64x8192xi32, #tpu.memory_space<hbm>> -> memref<1x64xi32, #tpu.memory_space<hbm>>
        %dma_start3A_197 = tpu.memref_squeeze %dma_start3A_196 : memref<1x64xi32, #tpu.memory_space<hbm>> -> memref<64xi32, #tpu.memory_space<hbm>>
        tpu.enqueue_dma source(%dma_start3A_197 : memref<64xi32, #tpu.memory_space<hbm>>) target(%arg9 : memref<64xi32, #tpu.memory_space<vmem>>) target_semaphore(%arg30 : memref<!tpu.dma_semaphore, #tpu.memory_space<semaphore_mem>>)
      } else {
      }
      %gt3A_166 = arith.constant 0 : i32
      %gt3A_167 = arith.cmpi sgt, %scan3A_65, %gt3A_166 : i32
      %convert_element_type3A_168 = arith.extui %gt3A_167 : i1 to i32
      %cond3A_169 = arith.constant 0 : i32
      %cond3A_170 = arith.cmpi ne, %convert_element_type3A_168, %cond3A_169 : i32
      scf.if %cond3A_170 {
        %sub3A = arith.constant 1 : i32
        %sub3A_190 = arith.subi %scan3A_65, %sub3A : i32
        %add3A_191 = arith.constant 192 : i32
        %add3A_192 = arith.addi %mul3A_2, %add3A_191 : i32
        %dma_wait3A_193 = arith.constant 0 : i32
        %dma_wait3A_194 = tpu.memref_slice %arg5[%sub3A_190, %add3A_192, %dma_wait3A_193] : memref<64x8192x64xf32, #tpu.memory_space<hbm>> -> memref<1x64x64xf32, #tpu.memory_space<hbm>>
        %dma_wait3A_195 = tpu.memref_squeeze %dma_wait3A_194 : memref<1x64x64xf32, #tpu.memory_space<hbm>> -> memref<64x64xf32, #tpu.memory_space<hbm>>
        %dma_wait3A_196 = arith.constant 0 : i32
        %dma_wait3A_197 = tpu.memref_slice %arg5[%sub3A_190, %add3A_192, %dma_wait3A_196] : memref<64x8192x64xf32, #tpu.memory_space<hbm>> -> memref<1x64x64xf32, #tpu.memory_space<hbm>>
        %dma_wait3A_198 = tpu.memref_squeeze %dma_wait3A_197 : memref<1x64x64xf32, #tpu.memory_space<hbm>> -> memref<64x64xf32, #tpu.memory_space<hbm>>
        tpu.wait_dma2 semaphore(%arg26 : memref<!tpu.dma_semaphore, #tpu.memory_space<semaphore_mem>>) src(%arg18 : memref<64x64xf32, #tpu.memory_space<vmem>>) dst(%dma_wait3A_198 : memref<64x64xf32, #tpu.memory_space<hbm>>)
      } else {
      }
      %scan3A_171 = arith.constant 0 : i32
      %scan3A_172 = arith.constant 0 : i32
      %scan3A_173 = arith.constant 64 : i32
      %scan3A_174 = arith.addi %scan3A_172, %scan3A_173 : i32
      %scan3A_175 = arith.constant 1 : i32
      scf.for %scan3A_190 = %scan3A_172 to %scan3A_174 step %scan3A_175  : i32 {
        %get3A = arith.index_cast %scan3A_190 : i32 to index
        %get3A_191 = arith.constant 0 : index
        %get3A_192 = tpu.vector_load %arg14[%get3A, %get3A_191] {strides = array<i32>} : memref<64x128xf32, #tpu.memory_space<vmem>>, vector<1x16xf32>,
        %get3A_193 = vector.shape_cast %get3A_192 : vector<1x16xf32> to vector<16xf32>
        %add3A_194 = arith.constant 192 : i32
        %add3A_195 = arith.addi %scan3A_190, %add3A_194 : i32
        %get3A_196 = arith.index_cast %add3A_195 : i32 to index
        %get3A_197 = arith.constant 0 : index
        %get3A_198 = tpu.vector_load %arg10[%get3A_196, %get3A_197] {strides = array<i32>} : memref<256x64xf32, #tpu.memory_space<vmem>>, vector<1x16xf32>,
        %get3A_199 = vector.shape_cast %get3A_198 : vector<1x16xf32> to vector<16xf32>
        %add3A_200 = arith.addf %get3A_193, %get3A_199 : vector<16xf32>
        %swap3A = arith.index_cast %scan3A_190 : i32 to index
        %swap3A_201 = arith.constant 0 : index
        %swap3A_202 = tpu.vector_load %arg18[%swap3A, %swap3A_201] {strides = array<i32>} : memref<64x64xf32, #tpu.memory_space<vmem>>, vector<1x16xf32>,
        %swap3A_203 = vector.shape_cast %swap3A_202 : vector<1x16xf32> to vector<16xf32>
        %swap3A_204 = vector.shape_cast %add3A_200 : vector<16xf32> to vector<1x16xf32>
        tpu.vector_store %arg18[%swap3A, %swap3A_201], %swap3A_204 {strides = array<i32>} : memref<64x64xf32, #tpu.memory_space<vmem>>, vector<1x16xf32>,
        %get3A_205 = arith.index_cast %scan3A_190 : i32 to index
        %get3A_206 = arith.constant 16 : index
        %get3A_207 = tpu.vector_load %arg14[%get3A_205, %get3A_206] {strides = array<i32>} : memref<64x128xf32, #tpu.memory_space<vmem>>, vector<1x16xf32>,
        %get3A_208 = vector.shape_cast %get3A_207 : vector<1x16xf32> to vector<16xf32>
        %add3A_209 = arith.constant 192 : i32
        %add3A_210 = arith.addi %scan3A_190, %add3A_209 : i32
        %get3A_211 = arith.index_cast %add3A_210 : i32 to index
        %get3A_212 = arith.constant 16 : index
        %get3A_213 = tpu.vector_load %arg10[%get3A_211, %get3A_212] {strides = array<i32>} : memref<256x64xf32, #tpu.memory_space<vmem>>, vector<1x16xf32>,
        %get3A_214 = vector.shape_cast %get3A_213 : vector<1x16xf32> to vector<16xf32>
        %add3A_215 = arith.addf %get3A_208, %get3A_214 : vector<16xf32>
        %swap3A_216 = arith.index_cast %scan3A_190 : i32 to index
        %swap3A_217 = arith.constant 16 : index
        %swap3A_218 = tpu.vector_load %arg18[%swap3A_216, %swap3A_217] {strides = array<i32>} : memref<64x64xf32, #tpu.memory_space<vmem>>, vector<1x16xf32>,
        %swap3A_219 = vector.shape_cast %swap3A_218 : vector<1x16xf32> to vector<16xf32>
        %swap3A_220 = vector.shape_cast %add3A_215 : vector<16xf32> to vector<1x16xf32>
        tpu.vector_store %arg18[%swap3A_216, %swap3A_217], %swap3A_220 {strides = array<i32>} : memref<64x64xf32, #tpu.memory_space<vmem>>, vector<1x16xf32>,
        %get3A_221 = arith.index_cast %scan3A_190 : i32 to index
        %get3A_222 = arith.constant 32 : index
        %get3A_223 = tpu.vector_load %arg14[%get3A_221, %get3A_222] {strides = array<i32>} : memref<64x128xf32, #tpu.memory_space<vmem>>, vector<1x16xf32>,
        %get3A_224 = vector.shape_cast %get3A_223 : vector<1x16xf32> to vector<16xf32>
        %add3A_225 = arith.constant 192 : i32
        %add3A_226 = arith.addi %scan3A_190, %add3A_225 : i32
        %get3A_227 = arith.index_cast %add3A_226 : i32 to index
        %get3A_228 = arith.constant 32 : index
        %get3A_229 = tpu.vector_load %arg10[%get3A_227, %get3A_228] {strides = array<i32>} : memref<256x64xf32, #tpu.memory_space<vmem>>, vector<1x16xf32>,
        %get3A_230 = vector.shape_cast %get3A_229 : vector<1x16xf32> to vector<16xf32>
        %add3A_231 = arith.addf %get3A_224, %get3A_230 : vector<16xf32>
        %swap3A_232 = arith.index_cast %scan3A_190 : i32 to index
        %swap3A_233 = arith.constant 32 : index
        %swap3A_234 = tpu.vector_load %arg18[%swap3A_232, %swap3A_233] {strides = array<i32>} : memref<64x64xf32, #tpu.memory_space<vmem>>, vector<1x16xf32>,
        %swap3A_235 = vector.shape_cast %swap3A_234 : vector<1x16xf32> to vector<16xf32>
        %swap3A_236 = vector.shape_cast %add3A_231 : vector<16xf32> to vector<1x16xf32>
        tpu.vector_store %arg18[%swap3A_232, %swap3A_233], %swap3A_236 {strides = array<i32>} : memref<64x64xf32, #tpu.memory_space<vmem>>, vector<1x16xf32>,
        %get3A_237 = arith.index_cast %scan3A_190 : i32 to index
        %get3A_238 = arith.constant 48 : index
        %get3A_239 = tpu.vector_load %arg14[%get3A_237, %get3A_238] {strides = array<i32>} : memref<64x128xf32, #tpu.memory_space<vmem>>, vector<1x16xf32>,
        %get3A_240 = vector.shape_cast %get3A_239 : vector<1x16xf32> to vector<16xf32>
        %add3A_241 = arith.constant 192 : i32
        %add3A_242 = arith.addi %scan3A_190, %add3A_241 : i32
        %get3A_243 = arith.index_cast %add3A_242 : i32 to index
        %get3A_244 = arith.constant 48 : index
        %get3A_245 = tpu.vector_load %arg10[%get3A_243, %get3A_244] {strides = array<i32>} : memref<256x64xf32, #tpu.memory_space<vmem>>, vector<1x16xf32>,
        %get3A_246 = vector.shape_cast %get3A_245 : vector<1x16xf32> to vector<16xf32>
        %add3A_247 = arith.addf %get3A_240, %get3A_246 : vector<16xf32>
        %swap3A_248 = arith.index_cast %scan3A_190 : i32 to index
        %swap3A_249 = arith.constant 48 : index
        %swap3A_250 = tpu.vector_load %arg18[%swap3A_248, %swap3A_249] {strides = array<i32>} : memref<64x64xf32, #tpu.memory_space<vmem>>, vector<1x16xf32>,
        %swap3A_251 = vector.shape_cast %swap3A_250 : vector<1x16xf32> to vector<16xf32>
        %swap3A_252 = vector.shape_cast %add3A_247 : vector<16xf32> to vector<1x16xf32>
        tpu.vector_store %arg18[%swap3A_248, %swap3A_249], %swap3A_252 {strides = array<i32>} : memref<64x64xf32, #tpu.memory_space<vmem>>, vector<1x16xf32>,
      }
      %scan3A_176 = arith.constant 64 : i32
      %add3A_177 = arith.constant 192 : i32
      %add3A_178 = arith.addi %mul3A_2, %add3A_177 : i32
      %dma_start3A_179 = arith.constant 0 : i32
      %dma_start3A_180 = tpu.memref_slice %arg5[%scan3A_65, %add3A_178, %dma_start3A_179] : memref<64x8192x64xf32, #tpu.memory_space<hbm>> -> memref<1x64x64xf32, #tpu.memory_space<hbm>>
      %dma_start3A_181 = tpu.memref_squeeze %dma_start3A_180 : memref<1x64x64xf32, #tpu.memory_space<hbm>> -> memref<64x64xf32, #tpu.memory_space<hbm>>
      %dma_start3A_182 = arith.constant 0 : i32
      %dma_start3A_183 = tpu.memref_slice %arg5[%scan3A_65, %add3A_178, %dma_start3A_182] : memref<64x8192x64xf32, #tpu.memory_space<hbm>> -> memref<1x64x64xf32, #tpu.memory_space<hbm>>
      %dma_start3A_184 = tpu.memref_squeeze %dma_start3A_183 : memref<1x64x64xf32, #tpu.memory_space<hbm>> -> memref<64x64xf32, #tpu.memory_space<hbm>>
      tpu.enqueue_dma source(%arg18 : memref<64x64xf32, #tpu.memory_space<vmem>>) target(%dma_start3A_184 : memref<64x64xf32, #tpu.memory_space<hbm>>) target_semaphore(%arg26 : memref<!tpu.dma_semaphore, #tpu.memory_space<semaphore_mem>>)
      %lt3A_185 = arith.constant 63 : i32
      %lt3A_186 = arith.cmpi slt, %scan3A_65, %lt3A_185 : i32
      %convert_element_type3A_187 = arith.extui %lt3A_186 : i1 to i32
      %cond3A_188 = arith.constant 0 : i32
      %cond3A_189 = arith.cmpi ne, %convert_element_type3A_187, %cond3A_188 : i32
      scf.if %cond3A_189 {
        %add3A_190 = arith.constant 1 : i32
        %add3A_191 = arith.addi %scan3A_65, %add3A_190 : i32
        %add3A_192 = arith.constant 192 : i32
        %add3A_193 = arith.addi %mul3A_2, %add3A_192 : i32
        %dma_wait3A_194 = tpu.memref_slice %arg2[%add3A_191, %add3A_193] : memref<64x8192xi32, #tpu.memory_space<hbm>> -> memref<1x64xi32, #tpu.memory_space<hbm>>
        %dma_wait3A_195 = tpu.memref_squeeze %dma_wait3A_194 : memref<1x64xi32, #tpu.memory_space<hbm>> -> memref<64xi32, #tpu.memory_space<hbm>>
        %dma_wait3A_196 = tpu.memref_slice %arg2[%add3A_191, %add3A_193] : memref<64x8192xi32, #tpu.memory_space<hbm>> -> memref<1x64xi32, #tpu.memory_space<hbm>>
        %dma_wait3A_197 = tpu.memref_squeeze %dma_wait3A_196 : memref<1x64xi32, #tpu.memory_space<hbm>> -> memref<64xi32, #tpu.memory_space<hbm>>
        tpu.wait_dma2 semaphore(%arg30 : memref<!tpu.dma_semaphore, #tpu.memory_space<semaphore_mem>>) src(%dma_wait3A_197 : memref<64xi32, #tpu.memory_space<hbm>>) dst(%arg9 : memref<64xi32, #tpu.memory_space<vmem>>)
        %dma_start3A_198 = arith.constant 0 : i32
        %dma_start3A_199 = arith.constant 0 : i32
        %dma_start3A_200 = tpu.memref_slice %arg3[%dma_start3A_198, %dma_start3A_199] : memref<8192x128xf32, #tpu.memory_space<hbm>> -> memref<8192x128xf32, #tpu.memory_space<hbm>>
        tpu.enqueue_indirect_dma source(%dma_start3A_200 : memref<8192x128xf32, #tpu.memory_space<hbm>>) target(%arg14 : memref<64x128xf32, #tpu.memory_space<vmem>>) offsets(%arg9 : memref<64xi32, #tpu.memory_space<vmem>>) semaphore(%arg22 : memref<!tpu.dma_semaphore, #tpu.memory_space<semaphore_mem>>)
      } else {
      }
    }
    %scan3A_29 = arith.constant 64 : i32
    %add3A_30 = arith.constant 0 : i32
    %add3A_31 = arith.addi %mul3A_2, %add3A_30 : i32
    %dma_wait3A = arith.constant 63 : i32
    %dma_wait3A_32 = arith.constant 0 : i32
    %dma_wait3A_33 = tpu.memref_slice %arg5[%dma_wait3A, %add3A_31, %dma_wait3A_32] : memref<64x8192x64xf32, #tpu.memory_space<hbm>> -> memref<1x64x64xf32, #tpu.memory_space<hbm>>
    %dma_wait3A_34 = tpu.memref_squeeze %dma_wait3A_33 : memref<1x64x64xf32, #tpu.memory_space<hbm>> -> memref<64x64xf32, #tpu.memory_space<hbm>>
    %dma_wait3A_35 = arith.constant 0 : i32
    %dma_wait3A_36 = tpu.memref_slice %arg5[%dma_wait3A, %add3A_31, %dma_wait3A_35] : memref<64x8192x64xf32, #tpu.memory_space<hbm>> -> memref<1x64x64xf32, #tpu.memory_space<hbm>>
    %dma_wait3A_37 = tpu.memref_squeeze %dma_wait3A_36 : memref<1x64x64xf32, #tpu.memory_space<hbm>> -> memref<64x64xf32, #tpu.memory_space<hbm>>
    tpu.wait_dma2 semaphore(%arg23 : memref<!tpu.dma_semaphore, #tpu.memory_space<semaphore_mem>>) src(%arg15 : memref<64x64xf32, #tpu.memory_space<vmem>>) dst(%dma_wait3A_37 : memref<64x64xf32, #tpu.memory_space<hbm>>)
    %add3A_38 = arith.constant 64 : i32
    %add3A_39 = arith.addi %mul3A_2, %add3A_38 : i32
    %dma_wait3A_40 = arith.constant 63 : i32
    %dma_wait3A_41 = arith.constant 0 : i32
    %dma_wait3A_42 = tpu.memref_slice %arg5[%dma_wait3A_40, %add3A_39, %dma_wait3A_41] : memref<64x8192x64xf32, #tpu.memory_space<hbm>> -> memref<1x64x64xf32, #tpu.memory_space<hbm>>
    %dma_wait3A_43 = tpu.memref_squeeze %dma_wait3A_42 : memref<1x64x64xf32, #tpu.memory_space<hbm>> -> memref<64x64xf32, #tpu.memory_space<hbm>>
    %dma_wait3A_44 = arith.constant 0 : i32
    %dma_wait3A_45 = tpu.memref_slice %arg5[%dma_wait3A_40, %add3A_39, %dma_wait3A_44] : memref<64x8192x64xf32, #tpu.memory_space<hbm>> -> memref<1x64x64xf32, #tpu.memory_space<hbm>>
    %dma_wait3A_46 = tpu.memref_squeeze %dma_wait3A_45 : memref<1x64x64xf32, #tpu.memory_space<hbm>> -> memref<64x64xf32, #tpu.memory_space<hbm>>
    tpu.wait_dma2 semaphore(%arg24 : memref<!tpu.dma_semaphore, #tpu.memory_space<semaphore_mem>>) src(%arg16 : memref<64x64xf32, #tpu.memory_space<vmem>>) dst(%dma_wait3A_46 : memref<64x64xf32, #tpu.memory_space<hbm>>)
    %add3A_47 = arith.constant 128 : i32
    %add3A_48 = arith.addi %mul3A_2, %add3A_47 : i32
    %dma_wait3A_49 = arith.constant 63 : i32
    %dma_wait3A_50 = arith.constant 0 : i32
    %dma_wait3A_51 = tpu.memref_slice %arg5[%dma_wait3A_49, %add3A_48, %dma_wait3A_50] : memref<64x8192x64xf32, #tpu.memory_space<hbm>> -> memref<1x64x64xf32, #tpu.memory_space<hbm>>
    %dma_wait3A_52 = tpu.memref_squeeze %dma_wait3A_51 : memref<1x64x64xf32, #tpu.memory_space<hbm>> -> memref<64x64xf32, #tpu.memory_space<hbm>>
    %dma_wait3A_53 = arith.constant 0 : i32
    %dma_wait3A_54 = tpu.memref_slice %arg5[%dma_wait3A_49, %add3A_48, %dma_wait3A_53] : memref<64x8192x64xf32, #tpu.memory_space<hbm>> -> memref<1x64x64xf32, #tpu.memory_space<hbm>>
    %dma_wait3A_55 = tpu.memref_squeeze %dma_wait3A_54 : memref<1x64x64xf32, #tpu.memory_space<hbm>> -> memref<64x64xf32, #tpu.memory_space<hbm>>
    tpu.wait_dma2 semaphore(%arg25 : memref<!tpu.dma_semaphore, #tpu.memory_space<semaphore_mem>>) src(%arg17 : memref<64x64xf32, #tpu.memory_space<vmem>>) dst(%dma_wait3A_55 : memref<64x64xf32, #tpu.memory_space<hbm>>)
    %add3A_56 = arith.constant 192 : i32
    %add3A_57 = arith.addi %mul3A_2, %add3A_56 : i32
    %dma_wait3A_58 = arith.constant 63 : i32
    %dma_wait3A_59 = arith.constant 0 : i32
    %dma_wait3A_60 = tpu.memref_slice %arg5[%dma_wait3A_58, %add3A_57, %dma_wait3A_59] : memref<64x8192x64xf32, #tpu.memory_space<hbm>> -> memref<1x64x64xf32, #tpu.memory_space<hbm>>
    %dma_wait3A_61 = tpu.memref_squeeze %dma_wait3A_60 : memref<1x64x64xf32, #tpu.memory_space<hbm>> -> memref<64x64xf32, #tpu.memory_space<hbm>>
    %dma_wait3A_62 = arith.constant 0 : i32
    %dma_wait3A_63 = tpu.memref_slice %arg5[%dma_wait3A_58, %add3A_57, %dma_wait3A_62] : memref<64x8192x64xf32, #tpu.memory_space<hbm>> -> memref<1x64x64xf32, #tpu.memory_space<hbm>>
    %dma_wait3A_64 = tpu.memref_squeeze %dma_wait3A_63 : memref<1x64x64xf32, #tpu.memory_space<hbm>> -> memref<64x64xf32, #tpu.memory_space<hbm>>
    tpu.wait_dma2 semaphore(%arg26 : memref<!tpu.dma_semaphore, #tpu.memory_space<semaphore_mem>>) src(%arg18 : memref<64x64xf32, #tpu.memory_space<vmem>>) dst(%dma_wait3A_64 : memref<64x64xf32, #tpu.memory_space<hbm>>)
    return
  }
}

</mosaic_0001>

<sc_bundles>
// kernel: kernel.3.cloned.1.call-start
scs
__scs_entry_jumppad:
0x0: {  	(pc) =	sbr.rel $0x88, $3  }
0x1: {  	(tag) =	ssettag $0x0;
	lr =	simm.s32 $0x1  }
0x2: {  	[smem:$0x3F9E] =	sst lr;
	_ =	strace $0xD0000000  }
0x3: {  	_ = 	snop  }
0x4: {  	_ = 	snop  }
0x5: {  	_ = 	snop  }
0x6: {  	_ = 	snop  }
0x7: {  	_ = 	snop  }
__scs_overlays_trampoline_lowered:
0x8: {  	[smem:$0x3FAD] =	sst s0  }
0x9: {  	[smem:$0x3FAE] =	sst s1  }
0xa: {  	[smem:$0x3FAF] =	sst s2  }
0xb: {  	[smem:$0x3FB0] =	sst s3  }
0xc: {  	[smem:$0x3FB1] =	sst s4  }
0xd: {  	[smem:$0x3FB2] =	sst s5  }
0xe: {  	[smem:$0x3FB3] =	sst s6  }
0xf: {  	[smem:$0x3FB4] =	sst s7  }
0x10: {  	[smem:$0x3FB5] =	sst s8  }
0x11: {  	[smem:$0x3FB6] =	sst s9;
	s0 =	simm.s32 @!p0 $0x0  }
0x12: {  	s1 =	sld [smem:$0x3F9C];
	s0 =	simm.s32 @p0 $0x1  }
0x13: {  	[smem:$0x3FB7] =	sst s0;
	s0 =	simm.s32 @!p1 $0x0  }
0x14: {  	s2 =	sld [smem:$0x3F9B];
	s0 =	simm.s32 @p1 $0x1  }
0x15: {  	[smem:$0x3FB8] =	sst s0;
	s0 =	simm.s32 @!p2 $0x0  }
0x16: {  	s3 =	sld [smem:$0x3FDB];
	s0 =	simm.s32 @p2 $0x1  }
0x17: {  	s4 =	simm.s32 $0x1BF5;
	[smem:$0x3FBA] =	sst s0  }
0x18: {  	s0 =	sld [smem:$0x3F9D];
	_ =	swait.ge [sflag:s4], $0x0  }
0x19: {  	s7 =	sld [smem:$0x3F9E]  }
0x1a: {  	s8 =	sadd.s32 $0xFFFFE003, lr  }
0x1b: {  	s9 =	sadd.s32 $0xFFFFFEF7, lr;
	s5 =	simm.s32 $0xFFFFFFFF;
	p2 =	slt.u32 s8, $0xFFFFF086  }
0x1c: {  	p1 =	slt.u32 s9, $0xF7A;
	s5 =	simm.s32 @!p2 $0x0  }
0x1d: {  	s5 =	simm.s32 @p1 $0x1;
	p0 =	seq.s32 s7, s2  }
0x1e: {  	s7 =	smul.u32 @!p0 $0xF7A, s2;
	p2 =	seq.s32 @!p0 s5, $0x0  }
0x1f: {  	s9 =	smul.u32 $0xF7A, s1;
	s8 =	simm.s32 @!p0 $0x1BF5;
	p2 =	por !p2, p0  }
0x20: {  	[sflag:s8] =	ssyncset.s32 @!p0 $0xFFFFF086;
	s6 =	sadd.s32 @!p0 s3, s7;
	s7 =	simm.s32 @!p0 $0x108  }
0x21: {  	s3 =	sadd.s32 s3, s9;
	s6 =	sadd.s32 @!p0 $0x88, s6;
	s7 =	simm.s32 @p2 $0x1082  }
0x22: {  	[simem:s7], [sflag:s8] =	dma.local @!p0 [hbm:s6], $0xF7A  }
0x23: {  	s9 =	sor.u32 $0xD0000000, s2;
	s6 =	simm.s32 $0x108;
	_ =	swait.ge @!p0 [sflag:s8], $0x0  }
0x24: {  	s3 =	sadd.s32 $0x88, s3;
	s6 =	simm.s32 @!p1 $0x1082;
	[sflag:s4] =	ssyncset.s32 $0xFFFFF086  }
0x25: {  	[simem:s6], [sflag:s4] =	dma.local [hbm:s3], $0xF7A  }
0x26: {  	[smem:$0x3F9E] =	sst s1;
	(tag) =	ssettag s2;
	_ =	strace s9  }
0x27: {  	s1 =	sld [smem:$0x3FAE]  }
0x28: {  	s2 =	sld [smem:$0x3FAF]  }
0x29: {  	s4 =	sld [smem:$0x3FB1]  }
0x2a: {  	p0 =	seq.s32 s5, $0x0;
	s5 =	sld [smem:$0x3FB2]  }
0x2b: {  	s6 =	sld [smem:$0x3FB3]  }
0x2c: {  	s7 =	sld [smem:$0x3FB4]  }
0x2d: {  	s3 =	simm.s32 $0x108;
	s8 =	sld [smem:$0x3FB5]  }
0x2e: {  	s3 =	simm.s32 @!p0 $0x1082;
	s9 =	sld [smem:$0x3FB6]  }
0x2f: {  	lr =	sadd.s32 s0, s3;
	s0 =	sld [smem:$0x3FAD]  }
0x30: {  	s3 =	sld [smem:$0x3FB0]  }
0x31: {  	[smem:$0x3FB9] =	sst s10  }
0x32: {  	s10 =	sld [smem:$0x3FB7];
	_ =	sdelay $0x3  }
0x33: {  	p0 =	seq.s32 s10, $0x1;
	s10 =	sld [smem:$0x3FB9];
	_ =	sdelay $0x3  }
0x34: {  	[smem:$0x3FB9] =	sst s10  }
0x35: {  	s10 =	sld [smem:$0x3FB8];
	_ =	sdelay $0x3  }
0x36: {  	p1 =	seq.s32 s10, $0x1;
	s10 =	sld [smem:$0x3FB9];
	_ =	sdelay $0x3  }
0x37: {  	[smem:$0x3FB9] =	sst s10  }
0x38: {  	s10 =	sld [smem:$0x3FBA]  }
0x39: {  	_ = 	snop;
	(pc) =	sbr.ind lr, $3  }
0x3a: {  	_ = 	snop  }
0x3b: {  	_ = 	snop  }
0x3c: {  	p2 =	seq.s32 s10, $0x1;
	s10 =	sld [smem:$0x3FB9]  }
0x3d: {  	_ =	shalt  }
0x3e: {  	_ =	shalt  }
0x3f: {  	_ =	shalt  }
0x40: {  	_ =	shalt  }
0x41: {  	_ =	shalt  }
0x42: {  	_ =	shalt  }
0x43: {  	_ =	shalt  }
0x44: {  	_ =	shalt  }
0x45: {  	_ =	shalt  }
0x46: {  	_ =	shalt  }
0x47: {  	_ =	shalt  }
0x48: {  	_ =	shalt  }
0x49: {  	_ =	shalt  }
0x4a: {  	_ =	shalt  }
0x4b: {  	_ =	shalt  }
0x4c: {  	_ =	shalt  }
0x4d: {  	_ =	shalt  }
0x4e: {  	_ =	shalt  }
0x4f: {  	_ =	shalt  }
0x50: {  	_ =	shalt  }
0x51: {  	_ =	shalt  }
0x52: {  	_ =	shalt  }
0x53: {  	_ =	shalt  }
0x54: {  	_ =	shalt  }
0x55: {  	_ =	shalt  }
0x56: {  	_ =	shalt  }
0x57: {  	_ =	shalt  }
0x58: {  	_ =	shalt  }
0x59: {  	_ =	shalt  }
0x5a: {  	_ =	shalt  }
0x5b: {  	_ =	shalt  }
0x5c: {  	_ =	shalt  }
0x5d: {  	_ =	shalt  }
0x5e: {  	_ =	shalt  }
0x5f: {  	_ =	shalt  }
0x60: {  	_ =	shalt  }
0x61: {  	_ =	shalt  }
0x62: {  	_ =	shalt  }
0x63: {  	_ =	shalt  }
0x64: {  	_ =	shalt  }
0x65: {  	_ =	shalt  }
0x66: {  	_ =	shalt  }
0x67: {  	_ =	shalt  }
0x68: {  	_ =	shalt  }
0x69: {  	_ =	shalt  }
0x6a: {  	_ =	shalt  }
0x6b: {  	_ =	shalt  }
0x6c: {  	_ =	shalt  }
0x6d: {  	_ =	shalt  }
0x6e: {  	_ =	shalt  }
0x6f: {  	_ =	shalt  }
0x70: {  	_ =	shalt  }
0x71: {  	_ =	shalt  }
0x72: {  	_ =	shalt  }
0x73: {  	_ =	shalt  }
0x74: {  	_ =	shalt  }
0x75: {  	_ =	shalt  }
0x76: {  	_ =	shalt  }
0x77: {  	_ =	shalt  }
0x78: {  	_ =	shalt  }
0x79: {  	_ =	shalt  }
0x7a: {  	_ =	shalt  }
0x7b: {  	_ =	shalt  }
0x7c: {  	_ =	shalt  }
0x7d: {  	_ =	shalt  }
0x7e: {  	_ =	shalt  }
0x7f: {  	_ =	shalt  }
0x80: {  	_ =	shalt  }
0x81: {  	_ =	shalt  }
0x82: {  	_ =	shalt  }
0x83: {  	_ =	shalt  }
0x84: {  	_ =	shalt  }
0x85: {  	_ =	shalt  }
0x86: {  	_ =	shalt  }
0x87: {  	_ =	shalt  }
.Lfunc_end0:
.L_simem_size_0:
called_computation_lowered:
.L_overlay_start_0:
0x88: {  	s2 =	sld [smem:$0x3FD9]  }
0x89: {  	s3 =	sld [smem:$0x3FFE];
	_ =	sdelay $0x1  }
0x8a: {  	s1 =	srdreg.scid  }
0x8b: {  	s0 =	sand.u32 $0x1, s1  }
0x8c: {  	s17 =	sshll.u32 s0, $0xA;
	s2 =	sadd.s32 s3, s2  }
0x8d: {  	s2 =	sadd.s32 s2, s17  }
0x8e: {  	[smem:$0x3FC5] =	sst s2  }
0x8f: {  	_ = 	snop  }
0x90: {  	s2 =	sld [smem:$0x3FC9]  }
0x91: {  	s18 =	sld [smem:$0x3FD0];
	(tm) =	ssettm $0x1  }
0x92: {  	s4 =	sld [smem:$0x3FFB];
	_ =	sdelay $0x3  }
0x93: {  	_ =	strace s4  }
0x94: {  	s4 =	sld [smem:$0x3FFC];
	_ =	sdelay $0x3  }
0x95: {  	_ =	strace s4  }
0x96: {  	s4 =	sld [smem:$0x3FFD];
	_ =	sdelay $0x3  }
0x97: {  	_ =	strace s4  }
0x98: {  	_ =	strace $0x8FFFFFFF  }
0x99: {  	s19 =	sld [smem:$0x3FDB];
	_ =	sdelay $0x1  }
0x9a: {  	s5 =	simm.s32 $_scs_section_size  }
0x9b: {  	s6 =	simm.s32 $_size__tile_overlayer_lowered;
	s7 =	simm.s32 $_tile_overlayer_lowered  }
0x9c: {  	s22 =	simm.s32 $0x1BFF;
	s21 =	sshll.u32 s7, $0x1;
	s4 =	sadd.s32 s5, s19  }
0x9d: {  	s8 =	simm.s32 $0x0;
	s20 =	sshll.u32 s6, $0x1;
	s6 =	sadd.s32 s21, s4  }
0x9e: {  	[timem:s8], [sflag:s22] =	dma.local [hbm:s6], s20  }
0x9f: {  	_ =	swait.ge [sflag:s22], s20  }
0xa0: {  	s5 =	ssub.s32 $0x0, s20;
	[sflag:s22] =	ssyncset.done $0x0  }
0xa1: {  	[sflag:s22] =	ssyncadd.s32 s5;
	_ =	sdelay $0x1  }
0xa2: {  	s23 =	simm.s32 $0x1B8B  }
0xa3: {  	_ =	swait.ge [sflag:s23], $0x1  }
0xa4: {  	[sflag:s23] =	ssyncset.done $0x0  }
0xa5: {  	s25 =	simm.s32 $0x1B8E;
	s24 =	sld [smem:$0x3FFE];
	[sflag:s23] =	ssyncadd.s32 $0xFFFFFFFF  }
0xa6: {  	s26 =	simm.s32 $execute0_lowered;
	[smem:$0x3FD2] =	sst s25  }
0xa7: {  	s6 =	sshll.u32 s26, $0x1;
	_ =	strace $0x80000046;
	[dreg:$0x1] =	wrdreg $0xFFFFFFFF  }
0xa8: {  	s28 =	simm.s32 $_size_execute0_lowered;
	s4 =	sadd.s32 s4, s6;
	[dreg:$0x0] =	wrdreg $0x0  }
0xa9: {  	s6 =	sshll.u32 s28, $0x1;
	[dreg:$0x2] =	wrdreg s4  }
0xaa: {  	[dreg:$0x3] =	wrdreg s6  }
0xab: {  	[dreg:$0x4] =	wrdreg $0xC0  }
0xac: {  	_ =	task [dreg:s8], $0x5FFFF  }
0xad: {  	[dreg:$0x1] =	wrdreg $0xFFFFFFFF  }
0xae: {  	[dreg:$0x0] =	wrdreg $0x60  }
0xaf: {  	[dreg:$0x2] =	wrdreg s2  }
0xb0: {  	[dreg:$0x3] =	wrdreg s18  }
0xb1: {  	[dreg:$0x4] =	wrdreg s24  }
0xb2: {  	[dreg:$0x5] =	wrdreg $0x9  }
0xb3: {  	_ =	task.clear_ibuf [dreg:s8], $0x6FFFF;
	_ =	strace $0x90000046  }
0xb4: {  	s29 =	simm.s32 $0x9;
	_ =	strace $0x80000048  }
0xb5: {  	_ =	swait.ge [sflag:s29], $0x1  }
0xb6: {  	[sflag:s29] =	ssyncadd.s32 $0xFFFFFFFF  }
0xb7: {  	_ =	strace $0x90000048  }
0xb8: {  	_ =	sfence  }
0xb9: {  	s30 =	sld [smem:$0x0];
	_ =	sdelay $0x2  }
0xba: {  	s31 =	sshll.u32 s1, $0xD;
	s1 =	sshrl.u32 s1, $0x2  }
0xbb: {  	s3 =	sand.u32 $0x4000, s31;
	s1 =	sadd.s32 s1, s30  }
0xbc: {  	s0 =	sor.u32 s3, s0;
	s1 =	sshll.u32 s1, $0x11  }
0xbd: {  	s0 =	sor.u32 s1, s0  }
0xbe: {  	s0 =	sadd.s32 $0x8F2B, s0  }
0xbf: {  	[sflag:s0] =	ssyncadd.remote.s32 $0x1  }
0xc0: {  	_ =	sfence.sel $0xFFFF  }
0xc1: {  	[dreg:$0x0] =	wrdreg $0xFFFFFFFF;
	(pc) =	sbr.abs _section_cstart, $3  }
0xc2: {  	[dreg:$0x1] =	wrdreg $0xFFFFFFFF  }
0xc3: {  	_ =	task.clear_ibuf [dreg:s8], $0x2FFFF;
	_ =	strace $0x9FFFFFFF  }
0xc4: {  	(tm) =	ssettm $0x7FFFFFFF  }
0xc5: {  	_ =	shalt  }
tec
execute0_lowered:
.L_overlay_start_1:
0x0: {  	(tag) =	ssettag $0x1  }
0x1: {  	s0 =	rddreg [dreg:$0x0]  }
0x2: {  	s1 =	srdreg.scid;
	s2 =	rddreg [dreg:$0x1]  }
0x3: {  	s3 =	stileid.u32;
	s4 =	rddreg [dreg:$0x2];
	s18 =	simm.s32 $0x40  }
0x4: {  	s28 =	simm.s32 $0x10200;
	s29 =	simm.s32 $0x12200;
	s30 =	simm.s32 $0x14200  }
0x5: {  	s31 =	simm.s32 $0x16200;
	s21 =	simm.s32 $0xC;
	s1 =	sand.u32 $0x1, s1  }
0x6: {  	s5 =	sshll.u32 s3, $0x9;
	s3 =	simm.s32 $0x0;
	s9 =	sadd.s32 $0x8, s0  }
0x7: {  	s6 =	sshll.u32 s1, $0x8;
	[smem:$0x7FF] =	sst s3;
	s1 =	ssub.s32 $0x2, s1  }
0x8: {  	s6 =	sor.u32 s6, s5;
	_ =	strace $0x80000047;
	s24 =	sshrl.u32 s1, $0x1  }
0x9: {  	s5 =	sshll.u32 s6, $0x4;
	s12 =	sor.u32 $0xC0, s6;
	s1 =	ssub.s32 s1, s24  }
0xa: {  	s13 =	sor.u32 $0x80, s6;
	s10 =	sadd.s32 s6, s9;
	s24 =	simm.s32 $0x180  }
0xb: {  	s7 =	sadd.s32 s5, s4;
	s4 =	sadd.s32 $0x20600, s4;
	s5 =	sshll.u32 s6, $0x7  }
0xc: {  	s8 =	sshll.u32 s12, $0x3;
	s11 =	sadd.s32 s0, s13;
	s13 =	sshll.u32 s13, $0x7  }
.Ltmp0:
0xd: {  	s26 =	smax.u32 s1, $0x1;
	s1 =	simm.s32 $0x5;
	(pc) =	sbr.rel .LBB2_1-.Ltmp0, $4  }
0xe: {  	s7 =	sadd.s32 $0x600, s7;
	s8 =	sand.u32 $0xFC00, s8;
	[dreg:$0x6] =	wrdreg s26  }
0xf: {  	s26 =	simm.s32 $0x1;
	[dreg:$0x4] =	wrdreg s7;
	s14 =	sshrl.u32 s8, $0x3  }
0x10: {  	s7 =	sadd.s32 s0, s6;
	s25 =	sadd.s32 s14, s9;
	s14 =	sshll.u32 s12, $0x7  }
0x11: {  	s12 =	simm.s32 $0x0;
	[dreg:$0x5] =	wrdreg s25;
	s25 =	simm.s32 $0xE200  }
.LBB2_15:
0x12: {  	_ =	swait.ge [sflag:s1], $0x2000  }
0x13: {  	[sflag:s1] =	ssyncset.done $0x0  }
0x14: {  	s0 =	simm.s32 $0x6;
	[sflag:s1] =	ssyncadd.s32 $0xFFFFE000  }
0x15: {  	_ =	swait.ge [sflag:s0], $0x2000  }
0x16: {  	[sflag:s0] =	ssyncset.done $0x0  }
0x17: {  	s22 =	simm.s32 $0x7;
	[sflag:s0] =	ssyncadd.s32 $0xFFFFE000  }
0x18: {  	_ =	swait.ge [sflag:s22], $0x2000  }
0x19: {  	[sflag:s22] =	ssyncset.done $0x0  }
0x1a: {  	s6 =	simm.s32 $0x8;
	[sflag:s22] =	ssyncadd.s32 $0xFFFFE000  }
0x1b: {  	_ =	swait.ge [sflag:s6], $0x2000  }
0x1c: {  	s12 =	rddreg [dreg:$0x7]  }
0x1d: {  	s23 =	rddreg [dreg:$0x6];
	s12 =	sadd.s32 $0x1, s12  }
0x1e: {  	p0 =	sne.s32 s12, s23  }
.Ltmp1:
0x1f: {  	_ = 	snop;
	(pc) =	sbr.rel @!p0 .LBB2_16-.Ltmp1, $3  }
0x20: {  	_ =	sdelay $0x1  }
0x21: {  	[sflag:s6] =	ssyncset.done $0x0  }
0x22: {  	[sflag:s6] =	ssyncadd.s32 $0xFFFFE000  }
.LBB2_1:
0x23: {  	[dreg:$0x7] =	wrdreg s12  }
0x24: {  	s0 =	rddreg [dreg:$0x4];
	s6 =	simm.s32 $0x200;
	s15 =	simm.s32 $0xD  }
0x25: {  	[tilespmem:s6], [sflag:$0xD] =	stream.linear.gather [hbm4b:s0+s3], $0x8000, $0x38;
	[tilespmem:$0x18200] =	vst v63  }
0x26: {  	_ =	swait.ge [sflag:s15], $0x8000  }
0x27: {  	[sflag:s15] =	ssyncset.done $0x0  }
0x28: {  	[sflag:s15] =	ssyncadd.s32 $0xFFFF8000  }
0x29: {  	[tilespmem:s3], [sflag:$0xD] =	stream.linear.gather [hbm4b:s7+s3], $0x40, $0x38;
	[tilespmem:$0x18200] =	vst v63  }
0x2a: {  	_ =	swait.ge [sflag:s15], $0x40  }
0x2b: {  	[sflag:s15] =	ssyncset.done $0x0  }
0x2c: {  	s16 =	simm.s32 $0x8200;
	[sflag:s15] =	ssyncadd.s32 $0xFFFFFFC0  }
0x2d: {  	[tilespmem:s16], [sflag:$0x1] =	stream.indirect.gather [hbm4b:s2+s18], $0x80, s3, s18, $0xb8;
	[tilespmem:$0x18200] =	vst v63  }
0x2e: {  	s17 =	simm.s32 $0x80  }
0x2f: {  	[tilespmem:s17], [sflag:$0xD] =	stream.linear.gather [hbm4b:s10+s3], $0x40, $0x38;
	[tilespmem:$0x18200] =	vst v63  }
0x30: {  	_ =	swait.ge [sflag:s15], $0x40  }
0x31: {  	[sflag:s15] =	ssyncset.done $0x0  }
0x32: {  	s19 =	simm.s32 $0xA200;
	[sflag:s15] =	ssyncadd.s32 $0xFFFFFFC0  }
0x33: {  	[tilespmem:s19], [sflag:$0x2] =	stream.indirect.gather [hbm4b:s2+s18], $0x80, s17, s18, $0xb8;
	[tilespmem:$0x18200] =	vst v63  }
0x34: {  	s20 =	simm.s32 $0x100  }
0x35: {  	[tilespmem:s20], [sflag:$0xD] =	stream.linear.gather [hbm4b:s11+s3], $0x40, $0x38;
	[tilespmem:$0x18200] =	vst v63  }
0x36: {  	_ =	swait.ge [sflag:s15], $0x40  }
0x37: {  	[sflag:s15] =	ssyncset.done $0x0  }
0x38: {  	s22 =	simm.s32 $0xC200;
	[sflag:s15] =	ssyncadd.s32 $0xFFFFFFC0  }
0x39: {  	[tilespmem:s22], [sflag:$0x3] =	stream.indirect.gather [hbm4b:s2+s18], $0x80, s20, s18, $0xb8;
	[tilespmem:$0x18200] =	vst v63  }
0x3a: {  	s23 =	rddreg [dreg:$0x5]  }
0x3b: {  	[tilespmem:s24], [sflag:$0xD] =	stream.linear.gather [hbm4b:s23+s3], $0x40, $0x38;
	[tilespmem:$0x18200] =	vst v63  }
0x3c: {  	_ =	swait.ge [sflag:s15], $0x40  }
0x3d: {  	[sflag:s15] =	ssyncset.done $0x0  }
0x3e: {  	s6 =	simm.s32 $0x0;
	[sflag:s15] =	ssyncadd.s32 $0xFFFFFFC0  }
0x3f: {  	[tilespmem:s25], [sflag:$0x4] =	stream.indirect.gather [hbm4b:s2+s18], $0x80, s24, s18, $0xb8;
	[tilespmem:$0x18200] =	vst v63  }
.LBB2_2:
0x40: {  	p0 =	seq.s32 s6, $0x3F  }
0x41: {  	p1 =	seq.s32 @!p0 s6, $0x0  }
0x42: {  	s12 =	sadd.s32 @!p0 $0x1, s6;
	p1 =	por p0, !p1  }
.Ltmp2:
0x43: {  	s0 =	sshll.u32 @!p0 s12, $0xA;
	s16 =	sshll.u32 @!p0 s12, $0x4;
	(pc) =	sbr.rel @!p1 .LBB2_3-.Ltmp2, $4  }
0x44: {  	_ =	swait.ge [sflag:s26], $0x2000;
	s15 =	sand.u32 @!p0 $0x1E000, s0;
	s0 =	sand.u32 @!p0 $0x70, s16  }
0x45: {  	[sflag:s26] =	ssyncset.done $0x0;
	s22 =	sor.u32 @!p0 s0, s15  }
0x46: {  	s19 =	simm.s32 @!p0 $0x0;
	[sflag:s26] =	ssyncadd.s32 $0xFFFFE000;
	s16 =	sadd.s32 @!p0 s22, s7  }
0x47: {  	[tilespmem:s19], [sflag:$0x9] =	stream.linear.gather @!p0 [hbm4b:s16+s19], $0x40, $0x38;
	[tilespmem:$0x18200] =	vst v63  }
.Ltmp3:
0x48: {  	(pc) =	sbr.rel .LBB2_5-.Ltmp3, $4  }
0x49: {  	_ = 	snop  }
0x4a: {  	_ =	swait.ge [sflag:s1], $0x2000  }
0x4b: {  	[sflag:s1] =	ssyncset.done $0x0  }
0x4c: {  	p1 =	por $0x0, $0x0;
	[sflag:s1] =	ssyncadd.s32 $0xFFFFE000  }
.LBB2_3:
0x4d: {  	p1 =	por @!p0 $0x1, $0x1  }
.LBB2_5:
0x4e: {  	s16 =	simm.s32 $0x0  }
0x4f: {  	v2 =	vld [tilespmem:s16+$0x8230]  }
0x50: {  	v4 =	vld [tilespmem:s16+$0x230]  }
0x51: {  	v5 =	vld [tilespmem:s16+$0x8200]  }
0x52: {  	v6 =	vld [tilespmem:s16+$0x200]  }
0x53: {  	v1 =	vld [tilespmem:s16+$0x8210]  }
0x54: {  	v3 =	vld [tilespmem:s16+$0x210]  }
0x55: {  	v0 =	vld [tilespmem:s16+$0x8220];
	v7 =	vadd.f32 v4, v2  }
0x56: {  	s19 =	simm.s32 $0x80;
	v4 =	vld [tilespmem:s16+$0x220]  }
0x57: {  	s20 =	simm.s32 $0x400;
	v2 =	vld [tilespmem:s19+$0x8230];
	v5 =	vadd.f32 v6, v5;
	[tilespmem:s16+$0x10230] =	vst v7  }
.LBB2_6:
0x58: {  	p2 =	sne.s32 s20, $0x7E00;
	v6 =	vld [tilespmem:s19+$0x230]  }
0x59: {  	v7 =	vld [tilespmem:s19+$0x8200];
	[tilespmem:s16+$0x10200] =	vst v5;
	v3 =	vadd.f32 v3, v1  }
0x5a: {  	v5 =	vld [tilespmem:s19+$0x200]  }
.Ltmp4:
0x5b: {  	v1 =	vld [tilespmem:s19+$0x8210];
	[tilespmem:s16+$0x10210] =	vst v3;
	v4 =	vadd.f32 v4, v0;
	(pc) =	sbr.rel @p2 .LBB2_6-.Ltmp4, $4  }
0x5c: {  	v3 =	vld [tilespmem:s19+$0x210]  }
0x5d: {  	v0 =	vld [tilespmem:s19+$0x8220];
	v6 =	vadd.f32 v6, v2;
	[tilespmem:s16+$0x10220] =	vst v4;
	s16 =	smov.u32 s19  }
0x5e: {  	s19 =	sshra.s32 s20, $0x2;
	v4 =	vld [tilespmem:s16+$0x220]  }
0x5f: {  	s20 =	sadd.s32 $0x200, s20;
	v2 =	vld [tilespmem:s19+$0x8230];
	v5 =	vadd.f32 v5, v7;
	[tilespmem:s16+$0x10230] =	vst v6  }
0x60: {  	v6 =	vld [tilespmem:s19+$0x230]  }
0x61: {  	v7 =	vld [tilespmem:s19+$0x8200];
	[tilespmem:s16+$0x10200] =	vst v5;
	v1 =	vadd.f32 v3, v1  }
0x62: {  	v3 =	vld [tilespmem:s19+$0x200]  }
0x63: {  	v5 =	vld [tilespmem:s19+$0x8210];
	[tilespmem:s16+$0x10210] =	vst v1;
	v0 =	vadd.f32 v4, v0  }
0x64: {  	v1 =	vld [tilespmem:s19+$0x210]  }
0x65: {  	v4 =	vld [tilespmem:s19+$0x8220];
	[tilespmem:s16+$0x10220] =	vst v0  }
0x66: {  	v0 =	vld [tilespmem:s19+$0x220];
	_ =	sdelay $0x1  }
0x67: {  	v2 =	vadd.f32 v6, v2  }
0x68: {  	v3 =	vadd.f32 v3, v7  }
0x69: {  	s20 =	sshll.u32 s6, $0x14;
	[tilespmem:s19+$0x10230] =	vst v2;
	v1 =	vadd.f32 v1, v5  }
0x6a: {  	s17 =	sor.u32 s5, s20;
	[tilespmem:s19+$0x10200] =	vst v3;
	v0 =	vadd.f32 v0, v4  }
0x6b: {  	s16 =	sshrl.u32 s17, $0x3;
	[tilespmem:s19+$0x10210] =	vst v1  }
0x6c: {  	s23 =	sadd.s32 s4, s16;
	[tilespmem:s19+$0x10220] =	vst v0;
	s19 =	simm.s32 @p0 $0x2  }
0x6d: {  	[hbm4b:s23+s3] =	stream.linear.scatter [tilespmem:s28], [sflag:$0x5], $0x2000, $0x38;
	[tilespmem:$0x18200] =	vst v63  }
0x6e: {  	_ =	swait.ge @p0 [sflag:s19], $0x2000  }
0x6f: {  	[sflag:s19] =	ssyncset.done @p0 $0x0  }
0x70: {  	[sflag:s19] =	ssyncadd.s32 @p0 $0xFFFFE000;
	s19 =	simm.s32 @!p0 $0x9  }
0x71: {  	_ =	swait.ge @!p0 [sflag:s19], $0x40  }
0x72: {  	s17 =	simm.s32 @!p0 $0x8200;
	[sflag:s19] =	ssyncset.done @!p0 $0x0  }
0x73: {  	s23 =	simm.s32 @!p0 $0x0;
	[sflag:s19] =	ssyncadd.s32 @!p0 $0xFFFFFFC0;
	s19 =	simm.s32 @!p0 $0x40  }
0x74: {  	[tilespmem:s17], [sflag:$0x1] =	stream.indirect.gather @!p0 [hbm4b:s2+s19], $0x80, s23, s19, $0xb8;
	[tilespmem:$0x18200] =	vst v63  }
0x75: {  	s17 =	simm.s32 @!p0 $0x2  }
0x76: {  	_ =	swait.ge @!p0 [sflag:s17], $0x2000  }
0x77: {  	s0 =	sadd.s32 @!p0 s0, s10;
	[sflag:s17] =	ssyncset.done @!p0 $0x0  }
0x78: {  	s0 =	sadd.s32 @!p0 s15, s0;
	s15 =	simm.s32 @!p0 $0x80;
	[sflag:s17] =	ssyncadd.s32 @!p0 $0xFFFFE000  }
0x79: {  	[tilespmem:s15], [sflag:$0xA] =	stream.linear.gather @!p0 [hbm4b:s0+s23], $0x40, $0x38;
	[tilespmem:$0x18200] =	vst v63  }
0x7a: {  	s0 =	simm.s32 @!p1 $0x6  }
0x7b: {  	_ =	swait.ge @!p1 [sflag:s0], $0x2000  }
0x7c: {  	[sflag:s0] =	ssyncset.done @!p1 $0x0  }
0x7d: {  	[sflag:s0] =	ssyncadd.s32 @!p1 $0xFFFFE000;
	s0 =	simm.s32 $0x0  }
0x7e: {  	v2 =	vld [tilespmem:s0+$0xA230]  }
0x7f: {  	v4 =	vld [tilespmem:s0+$0x2230]  }
0x80: {  	v5 =	vld [tilespmem:s0+$0xA200]  }
0x81: {  	v6 =	vld [tilespmem:s0+$0x2200]  }
0x82: {  	v1 =	vld [tilespmem:s0+$0xA210]  }
0x83: {  	v3 =	vld [tilespmem:s0+$0x2210]  }
0x84: {  	v0 =	vld [tilespmem:s0+$0xA220];
	v7 =	vadd.f32 v4, v2  }
0x85: {  	s15 =	simm.s32 $0x80;
	v4 =	vld [tilespmem:s0+$0x2220]  }
0x86: {  	s19 =	simm.s32 $0x400;
	v2 =	vld [tilespmem:s15+$0xA230];
	v5 =	vadd.f32 v6, v5;
	[tilespmem:s0+$0x12230] =	vst v7  }
.LBB2_8:
0x87: {  	p2 =	sne.s32 s19, $0x7E00;
	v6 =	vld [tilespmem:s15+$0x2230]  }
0x88: {  	v7 =	vld [tilespmem:s15+$0xA200];
	[tilespmem:s0+$0x12200] =	vst v5;
	v3 =	vadd.f32 v3, v1  }
0x89: {  	v5 =	vld [tilespmem:s15+$0x2200]  }
.Ltmp5:
0x8a: {  	v1 =	vld [tilespmem:s15+$0xA210];
	[tilespmem:s0+$0x12210] =	vst v3;
	v4 =	vadd.f32 v4, v0;
	(pc) =	sbr.rel @p2 .LBB2_8-.Ltmp5, $4  }
0x8b: {  	v3 =	vld [tilespmem:s15+$0x2210]  }
0x8c: {  	v0 =	vld [tilespmem:s15+$0xA220];
	v6 =	vadd.f32 v6, v2;
	[tilespmem:s0+$0x12220] =	vst v4;
	s0 =	smov.u32 s15  }
0x8d: {  	s15 =	sshra.s32 s19, $0x2;
	v4 =	vld [tilespmem:s0+$0x2220]  }
0x8e: {  	s19 =	sadd.s32 $0x200, s19;
	v2 =	vld [tilespmem:s15+$0xA230];
	v5 =	vadd.f32 v5, v7;
	[tilespmem:s0+$0x12230] =	vst v6  }
0x8f: {  	v6 =	vld [tilespmem:s15+$0x2230]  }
0x90: {  	v7 =	vld [tilespmem:s15+$0xA200];
	[tilespmem:s0+$0x12200] =	vst v5;
	v1 =	vadd.f32 v3, v1  }
0x91: {  	v3 =	vld [tilespmem:s15+$0x2200]  }
0x92: {  	v5 =	vld [tilespmem:s15+$0xA210];
	[tilespmem:s0+$0x12210] =	vst v1;
	v0 =	vadd.f32 v4, v0  }
0x93: {  	v1 =	vld [tilespmem:s15+$0x2210]  }
0x94: {  	v4 =	vld [tilespmem:s15+$0xA220];
	[tilespmem:s0+$0x12220] =	vst v0  }
0x95: {  	v0 =	vld [tilespmem:s15+$0x2220];
	_ =	sdelay $0x1  }
0x96: {  	v2 =	vadd.f32 v6, v2  }
0x97: {  	v3 =	vadd.f32 v3, v7  }
0x98: {  	[tilespmem:s15+$0x12230] =	vst v2;
	v1 =	vadd.f32 v1, v5  }
0x99: {  	[tilespmem:s15+$0x12200] =	vst v3;
	v0 =	vadd.f32 v0, v4  }
0x9a: {  	s23 =	sadd.s32 s16, s4;
	[tilespmem:s15+$0x12210] =	vst v1  }
0x9b: {  	s0 =	sadd.s32 $0x400, s23;
	[tilespmem:s15+$0x12220] =	vst v0  }
0x9c: {  	[hbm4b:s0+s3] =	stream.linear.scatter [tilespmem:s29], [sflag:$0x6], $0x2000, $0x38;
	[tilespmem:$0x18200] =	vst v63  }
0x9d: {  	s0 =	simm.s32 @p0 $0x3  }
0x9e: {  	_ =	swait.ge @p0 [sflag:s0], $0x2000  }
0x9f: {  	[sflag:s0] =	ssyncset.done @p0 $0x0  }
0xa0: {  	[sflag:s0] =	ssyncadd.s32 @p0 $0xFFFFE000;
	s0 =	simm.s32 @!p0 $0xA  }
0xa1: {  	_ =	swait.ge @!p0 [sflag:s0], $0x40  }
0xa2: {  	s16 =	simm.s32 @!p0 $0xA200;
	[sflag:s0] =	ssyncset.done @!p0 $0x0  }
0xa3: {  	s15 =	simm.s32 @!p0 $0x80;
	[sflag:s0] =	ssyncadd.s32 @!p0 $0xFFFFFFC0;
	s0 =	simm.s32 @!p0 $0x40  }
0xa4: {  	[tilespmem:s16], [sflag:$0x2] =	stream.indirect.gather @!p0 [hbm4b:s2+s0], $0x80, s15, s0, $0xb8;
	[tilespmem:$0x18200] =	vst v63  }
0xa5: {  	s0 =	simm.s32 @!p0 $0x3  }
0xa6: {  	_ =	swait.ge @!p0 [sflag:s0], $0x2000  }
0xa7: {  	s15 =	simm.s32 @!p0 $0x0;
	[sflag:s0] =	ssyncset.done @!p0 $0x0  }
0xa8: {  	s16 =	simm.s32 @!p0 $0x100;
	[sflag:s0] =	ssyncadd.s32 @!p0 $0xFFFFE000;
	s0 =	sadd.s32 @!p0 s22, s11  }
0xa9: {  	[tilespmem:s16], [sflag:$0xB] =	stream.linear.gather @!p0 [hbm4b:s0+s15], $0x40, $0x38;
	[tilespmem:$0x18200] =	vst v63  }
0xaa: {  	s0 =	simm.s32 @!p1 $0x7  }
0xab: {  	_ =	swait.ge @!p1 [sflag:s0], $0x2000  }
0xac: {  	[sflag:s0] =	ssyncset.done @!p1 $0x0  }
0xad: {  	s15 =	simm.s32 $0x0;
	[sflag:s0] =	ssyncadd.s32 @!p1 $0xFFFFE000  }
0xae: {  	v2 =	vld [tilespmem:s15+$0xC230]  }
0xaf: {  	v4 =	vld [tilespmem:s15+$0x4230]  }
0xb0: {  	v5 =	vld [tilespmem:s15+$0xC200]  }
0xb1: {  	v6 =	vld [tilespmem:s15+$0x4200]  }
0xb2: {  	v1 =	vld [tilespmem:s15+$0xC210]  }
0xb3: {  	v3 =	vld [tilespmem:s15+$0x4210]  }
0xb4: {  	v0 =	vld [tilespmem:s15+$0xC220];
	v7 =	vadd.f32 v4, v2  }
0xb5: {  	s0 =	simm.s32 $0x80;
	v4 =	vld [tilespmem:s15+$0x4220]  }
0xb6: {  	s16 =	simm.s32 $0x400;
	v2 =	vld [tilespmem:s0+$0xC230];
	v5 =	vadd.f32 v6, v5;
	[tilespmem:s15+$0x14230] =	vst v7  }
.LBB2_10:
0xb7: {  	p2 =	sne.s32 s16, $0x7E00;
	v6 =	vld [tilespmem:s0+$0x4230]  }
0xb8: {  	v7 =	vld [tilespmem:s0+$0xC200];
	[tilespmem:s15+$0x14200] =	vst v5;
	v3 =	vadd.f32 v3, v1  }
0xb9: {  	v5 =	vld [tilespmem:s0+$0x4200]  }
.Ltmp6:
0xba: {  	v1 =	vld [tilespmem:s0+$0xC210];
	[tilespmem:s15+$0x14210] =	vst v3;
	v4 =	vadd.f32 v4, v0;
	(pc) =	sbr.rel @p2 .LBB2_10-.Ltmp6, $4  }
0xbb: {  	v3 =	vld [tilespmem:s0+$0x4210]  }
0xbc: {  	v0 =	vld [tilespmem:s0+$0xC220];
	v6 =	vadd.f32 v6, v2;
	[tilespmem:s15+$0x14220] =	vst v4;
	s15 =	smov.u32 s0  }
0xbd: {  	s0 =	sshra.s32 s16, $0x2;
	v4 =	vld [tilespmem:s15+$0x4220]  }
0xbe: {  	s16 =	sadd.s32 $0x200, s16;
	v2 =	vld [tilespmem:s0+$0xC230];
	v5 =	vadd.f32 v5, v7;
	[tilespmem:s15+$0x14230] =	vst v6  }
0xbf: {  	v6 =	vld [tilespmem:s0+$0x4230]  }
0xc0: {  	v7 =	vld [tilespmem:s0+$0xC200];
	[tilespmem:s15+$0x14200] =	vst v5;
	v1 =	vadd.f32 v3, v1  }
0xc1: {  	v3 =	vld [tilespmem:s0+$0x4200]  }
0xc2: {  	v5 =	vld [tilespmem:s0+$0xC210];
	[tilespmem:s15+$0x14210] =	vst v1;
	v0 =	vadd.f32 v4, v0  }
0xc3: {  	v1 =	vld [tilespmem:s0+$0x4210]  }
0xc4: {  	v4 =	vld [tilespmem:s0+$0xC220];
	[tilespmem:s15+$0x14220] =	vst v0  }
0xc5: {  	v0 =	vld [tilespmem:s0+$0x4220];
	_ =	sdelay $0x1  }
0xc6: {  	v2 =	vadd.f32 v6, v2  }
0xc7: {  	v3 =	vadd.f32 v3, v7  }
0xc8: {  	[tilespmem:s0+$0x14230] =	vst v2;
	v1 =	vadd.f32 v1, v5  }
0xc9: {  	s22 =	sor.u32 s13, s20;
	[tilespmem:s0+$0x14200] =	vst v3;
	v0 =	vadd.f32 v0, v4  }
0xca: {  	s15 =	sshrl.u32 s22, $0x3;
	[tilespmem:s0+$0x14210] =	vst v1  }
0xcb: {  	s23 =	sadd.s32 s4, s15;
	[tilespmem:s0+$0x14220] =	vst v0;
	s0 =	simm.s32 @p0 $0x4  }
0xcc: {  	[hbm4b:s23+s3] =	stream.linear.scatter [tilespmem:s30], [sflag:$0x7], $0x2000, $0x38;
	[tilespmem:$0x18200] =	vst v63  }
0xcd: {  	_ =	swait.ge @p0 [sflag:s0], $0x2000  }
0xce: {  	[sflag:s0] =	ssyncset.done @p0 $0x0  }
0xcf: {  	[sflag:s0] =	ssyncadd.s32 @p0 $0xFFFFE000;
	s0 =	simm.s32 @!p0 $0xB  }
0xd0: {  	_ =	swait.ge @!p0 [sflag:s0], $0x40  }
0xd1: {  	s16 =	simm.s32 @!p0 $0xC200;
	[sflag:s0] =	ssyncset.done @!p0 $0x0  }
0xd2: {  	s15 =	simm.s32 @!p0 $0x100;
	[sflag:s0] =	ssyncadd.s32 @!p0 $0xFFFFFFC0;
	s0 =	simm.s32 @!p0 $0x40  }
0xd3: {  	[tilespmem:s16], [sflag:$0x3] =	stream.indirect.gather @!p0 [hbm4b:s2+s0], $0x80, s15, s0, $0xb8;
	[tilespmem:$0x18200] =	vst v63  }
0xd4: {  	s0 =	sshll.u32 @!p0 s12, $0x7;
	s12 =	sshll.u32 @!p0 s12, $0xD  }
0xd5: {  	s0 =	sand.u32 @!p0 $0x380, s0;
	s12 =	sand.u32 @!p0 $0xF0000, s12  }
0xd6: {  	s15 =	simm.s32 @!p0 $0x4;
	s0 =	sor.u32 @!p0 s12, s0  }
0xd7: {  	_ =	swait.ge @!p0 [sflag:s15], $0x2000;
	s0 =	sor.u32 @!p0 s8, s0  }
0xd8: {  	[sflag:s15] =	ssyncset.done @!p0 $0x0;
	s12 =	simm.s32 @!p0 $0x0;
	s0 =	sshrl.u32 @!p0 s0, $0x3  }
0xd9: {  	[sflag:s15] =	ssyncadd.s32 @!p0 $0xFFFFE000;
	s15 =	simm.s32 @!p0 $0x180;
	s0 =	sadd.s32 @!p0 s0, s9  }
0xda: {  	[tilespmem:s15], [sflag:$0xC] =	stream.linear.gather @!p0 [hbm4b:s0+s12], $0x40, $0x38;
	[tilespmem:$0x18200] =	vst v63  }
0xdb: {  	s0 =	simm.s32 @!p1 $0x8  }
0xdc: {  	_ =	swait.ge @!p1 [sflag:s0], $0x2000  }
0xdd: {  	[sflag:s0] =	ssyncset.done @!p1 $0x0  }
0xde: {  	s12 =	simm.s32 $0x0;
	[sflag:s0] =	ssyncadd.s32 @!p1 $0xFFFFE000  }
0xdf: {  	v2 =	vld [tilespmem:s12+$0xE230]  }
0xe0: {  	v4 =	vld [tilespmem:s12+$0x6230]  }
0xe1: {  	v5 =	vld [tilespmem:s12+$0xE200]  }
0xe2: {  	v6 =	vld [tilespmem:s12+$0x6200]  }
0xe3: {  	v1 =	vld [tilespmem:s12+$0xE210]  }
0xe4: {  	v3 =	vld [tilespmem:s12+$0x6210]  }
0xe5: {  	v0 =	vld [tilespmem:s12+$0xE220];
	v7 =	vadd.f32 v4, v2  }
0xe6: {  	s0 =	simm.s32 $0x80;
	v4 =	vld [tilespmem:s12+$0x6220]  }
0xe7: {  	s15 =	simm.s32 $0x400;
	v2 =	vld [tilespmem:s0+$0xE230];
	v5 =	vadd.f32 v6, v5;
	[tilespmem:s12+$0x16230] =	vst v7  }
.LBB2_12:
0xe8: {  	p1 =	sne.s32 s15, $0x7E00;
	v6 =	vld [tilespmem:s0+$0x6230]  }
0xe9: {  	v7 =	vld [tilespmem:s0+$0xE200];
	[tilespmem:s12+$0x16200] =	vst v5;
	v3 =	vadd.f32 v3, v1  }
0xea: {  	v5 =	vld [tilespmem:s0+$0x6200]  }
.Ltmp7:
0xeb: {  	v1 =	vld [tilespmem:s0+$0xE210];
	[tilespmem:s12+$0x16210] =	vst v3;
	v4 =	vadd.f32 v4, v0;
	(pc) =	sbr.rel @p1 .LBB2_12-.Ltmp7, $4  }
0xec: {  	v3 =	vld [tilespmem:s0+$0x6210]  }
0xed: {  	v0 =	vld [tilespmem:s0+$0xE220];
	v6 =	vadd.f32 v6, v2;
	[tilespmem:s12+$0x16220] =	vst v4;
	s12 =	smov.u32 s0  }
0xee: {  	s0 =	sshra.s32 s15, $0x2;
	v4 =	vld [tilespmem:s12+$0x6220]  }
0xef: {  	s15 =	sadd.s32 $0x200, s15;
	v2 =	vld [tilespmem:s0+$0xE230];
	v5 =	vadd.f32 v5, v7;
	[tilespmem:s12+$0x16230] =	vst v6  }
0xf0: {  	v6 =	vld [tilespmem:s0+$0x6230]  }
0xf1: {  	v7 =	vld [tilespmem:s0+$0xE200];
	[tilespmem:s12+$0x16200] =	vst v5;
	v1 =	vadd.f32 v3, v1  }
0xf2: {  	v62 =	vld [tilespmem:s0+$0x6200]  }
0xf3: {  	v5 =	vld [tilespmem:s0+$0xE210];
	[tilespmem:s12+$0x16210] =	vst v1;
	v0 =	vadd.f32 v4, v0  }
0xf4: {  	v1 =	vld [tilespmem:s0+$0x6210]  }
0xf5: {  	v63 =	vld [tilespmem:s0+$0xE220];
	[tilespmem:s12+$0x16220] =	vst v0  }
0xf6: {  	v0 =	vld [tilespmem:s0+$0x6220];
	_ =	sdelay $0x1  }
0xf7: {  	v2 =	vadd.f32 v6, v2  }
0xf8: {  	v3 =	vadd.f32 v62, v7  }
.Ltmp8:
0xf9: {  	[tilespmem:s0+$0x16230] =	vst v2;
	v1 =	vadd.f32 v1, v5;
	(pc) =	sbr.rel @p0 .LBB2_15-.Ltmp8, $4  }
0xfa: {  	s22 =	sor.u32 s14, s20;
	[tilespmem:s0+$0x16200] =	vst v3;
	v0 =	vadd.f32 v0, v63  }
0xfb: {  	s12 =	sshrl.u32 s22, $0x3;
	[tilespmem:s0+$0x16210] =	vst v1  }
0xfc: {  	s23 =	sadd.s32 s4, s12;
	[tilespmem:s0+$0x16220] =	vst v0  }
0xfd: {  	[hbm4b:s23+s3] =	stream.linear.scatter [tilespmem:s31], [sflag:$0x8], $0x2000, $0x38;
	[tilespmem:$0x18200] =	vst v63  }
.Ltmp9:
0xfe: {  	(pc) =	sbr.rel .LBB2_2-.Ltmp9, $4  }
0xff: {  	_ =	swait.ge [sflag:s21], $0x40  }
0x100: {  	[sflag:s21] =	ssyncset.done $0x0  }
0x101: {  	s6 =	sadd.s32 $0x1, s6;
	[sflag:s21] =	ssyncadd.s32 $0xFFFFFFC0  }
0x102: {  	[tilespmem:s25], [sflag:$0x4] =	stream.indirect.gather [hbm4b:s2+s18], $0x80, s24, s18, $0xb8;
	[tilespmem:$0x18200] =	vst v63  }
.LBB2_16:
0x103: {  	_ =	sfence.sel $0x180000  }
0x104: {  	[bflag:$0x0] =	sbarrier.arrive $0xFFFF  }
0x105: {  	_ =	strace $0x90000047  }
0x106: {  	s0 =	stileid.u32;
	[bflag:$0x2] =	sbarrier.arrive $0xFFFF  }
0x107: {  	p0 =	sne.s32 s0, $0x0;
	s0 =	rddreg [dreg:$0x3]  }
0x108: {  	s0 =	sadd.s32 @!p0 $0x100000, s0  }
0x109: {  	[sflag:s0] =	ssyncadd.tile.s32 @!p0 $0x1;
	_ =	shalt  }
.Lfunc_end2:
_tile_overlayer_lowered:
.L_overlay_start_2:
0x10a: {  	(tag) =	ssettag $0x2  }
0x10b: {  	s0 =	rddreg [dreg:$0x0];
	s2 =	stileid.u32  }
0x10c: {  	s1 =	rddreg [dreg:$0x1];
	p0 =	sne.s32 s2, $0x0  }
0x10d: {  	s3 =	rddreg [dreg:$0x2];
	[bflag:$0x3] =	sbarrier.arrive $0xFFFF;
	s2 =	simm.s32 @!p0 $0x1C0D  }
0x10e: {  	[timem:s3], [sflag:s2] =	dma.local @!p0 [hbm:s0], s1  }
0x10f: {  	s0 =	simm.s32 @!p0 $0xD  }
0x110: {  	_ =	swait.ge @!p0 [sflag:s0], s1  }
0x111: {  	s1 =	ssub.s32 @!p0 $0x0, s1;
	[sflag:s0] =	ssyncset.done @!p0 $0x0  }
0x112: {  	[sflag:s0] =	ssyncadd.s32 @!p0 s1  }
0x113: {  	[bflag:$0x3] =	sbarrier.arrive $0xFFFF  }
0x114: {  	_ =	shalt  }

</sc_bundles>
